<compile_context>
chip_gen: v7x
topology: tpu7x:2x2x1
jax: 0.10.2.dev20260603
libtpu: 0.0.44.dev20260713+nightly
codegen_flags: <defaults>
</compile_context>

<pallas_src>
import functools

import jax
import jax.numpy as jnp
from jax import lax
from jax.experimental import pallas as pl
from jax.experimental.pallas import tpu as pltpu
from jax.experimental.pallas import tpu_sc as plsc

_NC, _NS = 2, 16
_NW = _NC * _NS
_LANES = 16
_UNROLL = 25


def _sc_partial_denom(edge_index, edge_attr, n_nodes, block_n):
    e = edge_index.shape[1]
    chunk = e // _NW
    nb = n_nodes // block_n
    mesh = plsc.VectorSubcoreMesh(
        core_axis_name="c", subcore_axis_name="s",
        num_cores=_NC, num_subcores=_NS)

    @functools.partial(
        pl.kernel,
        out_type=jax.ShapeDtypeStruct((nb * _NW * block_n,), jnp.float32),
        mesh=mesh,
        scratch_types=[
            pltpu.VMEM((chunk,), jnp.int32),
            pltpu.VMEM((chunk,), jnp.float32),
            pltpu.VMEM((n_nodes,), jnp.float32),
        ],
        compiler_params=pltpu.CompilerParams(
            needs_layout_passes=False, use_tc_tiling_on_sc=False),
    )
    def sc_kernel(ei_hbm, ea_hbm, out_hbm, idx_v, val_v, acc_v):
        wid = lax.axis_index("s") * _NC + lax.axis_index("c")
        base = wid * chunk
        pltpu.sync_copy(ei_hbm.at[0, pl.ds(e + base, chunk)], idx_v)
        pltpu.sync_copy(ea_hbm.at[0, pl.ds(base, chunk)], val_v)

        zeros = jnp.zeros((_LANES,), jnp.float32)

        def zero_body(i, _):
            for u in range(_UNROLL):
                acc_v[pl.ds((i * _UNROLL + u) * _LANES, _LANES)] = zeros
            return _

        lax.fori_loop(0, n_nodes // (_LANES * _UNROLL), zero_body, 0)

        def scat_body(i, _):
            for u in range(_UNROLL):
                off = (i * _UNROLL + u) * _LANES
                idx = idx_v[pl.ds(off, _LANES)]
                val = val_v[pl.ds(off, _LANES)]
                plsc.addupdate_scatter(acc_v, [idx], val)
            return _

        lax.fori_loop(0, chunk // (_LANES * _UNROLL), scat_body, 0)
        for b in range(nb):
            off = pl.multiple_of((b * _NW + wid) * block_n, 8)
            pltpu.sync_copy(
                acc_v.at[pl.ds(b * block_n, block_n)],
                out_hbm.at[pl.ds(off, block_n)])

    flat = sc_kernel(edge_index.reshape(1, -1), edge_attr.reshape(1, -1))
    return flat.reshape(nb, _NW, block_n)


def _tc_mlp(x, w1t, b1, w2t, b2, block_n):
    n, d = x.shape
    h = w1t.shape[1]

    def body(x_ref, w1t_ref, b1_ref, w2t_ref, b2_ref, out_ref):
        g = 2.0 * x_ref[...]
        h1 = jnp.dot(g, w1t_ref[...], preferred_element_type=jnp.float32)
        h1 = jnp.maximum(h1 + b1_ref[...], 0.0)
        r = jnp.dot(h1, w2t_ref[...], preferred_element_type=jnp.float32)
        out_ref[...] = jnp.maximum(r + b2_ref[...], 0.0)

    return pl.pallas_call(
        body,
        grid=(n // block_n,),
        in_specs=[
            pl.BlockSpec((block_n, d), lambda i: (i, 0)),
            pl.BlockSpec((d, h), lambda i: (0, 0)),
            pl.BlockSpec((1, h), lambda i: (0, 0)),
            pl.BlockSpec((h, d), lambda i: (0, 0)),
            pl.BlockSpec((1, d), lambda i: (0, 0)),
        ],
        out_specs=pl.BlockSpec((block_n, d), lambda i: (i, 0)),
        out_shape=jax.ShapeDtypeStruct((n, d), jnp.float32),
    )(x, w1t, b1, w2t, b2)


def _tc_select(full, partials, b1, w2t, b2, block_n):
    n, d = full.shape
    h = w2t.shape[0]

    def body(full_ref, part_ref, b1_ref, w2t_ref, b2_ref, out_ref):
        ones = jnp.ones((_NW, 1), jnp.float32)
        denom = lax.dot_general(
            part_ref[0], ones, (((0,), (0,)), ((), ())),
            preferred_element_type=jnp.float32)
        h0 = jnp.maximum(b1_ref[...], 0.0)
        c0 = jnp.dot(h0, w2t_ref[...], preferred_element_type=jnp.float32)
        c0 = jnp.maximum(c0 + b2_ref[...], 0.0)
        out_ref[...] = jnp.where(denom != 0.0, full_ref[...], c0)

    return pl.pallas_call(
        body,
        grid=(n // block_n,),
        in_specs=[
            pl.BlockSpec((block_n, d), lambda i: (i, 0)),
            pl.BlockSpec((1, _NW, block_n), lambda i: (i, 0, 0)),
            pl.BlockSpec((1, h), lambda i: (0, 0)),
            pl.BlockSpec((h, d), lambda i: (0, 0)),
            pl.BlockSpec((1, d), lambda i: (0, 0)),
        ],
        out_specs=pl.BlockSpec((block_n, d), lambda i: (i, 0)),
        out_shape=jax.ShapeDtypeStruct((n, d), jnp.float32),
    )(full, partials, b1, w2t, b2)


def kernel(x, edge_index, edge_attr, u, batch, W1, b1, W2, b2):
    n = x.shape[0]
    block_n = 2000
    w1t, w2t = W1.T, W2.T
    b1r, b2r = b1.reshape(1, -1), b2.reshape(1, -1)
    partials = _sc_partial_denom(edge_index, edge_attr, n, block_n)
    full = _tc_mlp(x, w1t, b1r, w2t, b2r, block_n)
    return _tc_select(full, partials, b1r, w2t, b2r, block_n)

# --- scband reference (transcript-rebuilt; emitter-appended) ---
"""Pipeline reference for scband-node-model-64252710748376 (READ-ONLY COPY).

The authoritative reference and input builder live on the scoring server;
editing this copy changes nothing except your own understanding.
"""

import jax, jax.numpy as jnp
import numpy as np

N, E, D, H = 10000, 320000, 128, 128


def setup_inputs(seed: int = 0) -> dict:
    key = jax.random.key(seed)
    ks = jax.random.split(key, 9)
    x = jax.random.normal(ks[0], (N, D), dtype=jnp.float32)
    edge_index = jax.random.randint(ks[1], (2, E), 0, N, dtype=jnp.int32)
    edge_attr = jax.random.uniform(ks[2], (E, 1), dtype=jnp.float32)
    u = jax.random.normal(ks[3], (1, D), dtype=jnp.float32)
    batch = jnp.zeros((N,), dtype=jnp.int32)
    s1 = 1.0 / np.sqrt(D)
    W1 = jax.random.uniform(ks[4], (H, D), minval=-s1, maxval=s1, dtype=jnp.float32)
    b1 = jax.random.uniform(ks[5], (H,), minval=-s1, maxval=s1, dtype=jnp.float32)
    s2 = 1.0 / np.sqrt(H)
    W2 = jax.random.uniform(ks[6], (D, H), minval=-s2, maxval=s2, dtype=jnp.float32)
    b2 = jax.random.uniform(ks[7], (D,), minval=-s2, maxval=s2, dtype=jnp.float32)
    return {"x": x, "edge_index": edge_index, "edge_attr": edge_attr, "u": u,
            "batch": batch, "W1": W1, "b1": b1, "W2": W2, "b2": b2}


def reference(x, edge_index, edge_attr, u, batch, W1, b1, W2, b2):
    row, col = edge_index[0], edge_index[1]
    n = x.shape[0]
    # scatter_add(edge_attr * x[col], col, dim_size=N, dim=0)
    geo_sum = jnp.zeros((n, x.shape[1]), dtype=x.dtype).at[col].add(edge_attr * x[col])
    # scatter_add(edge_attr, col, dim_size=N, dim=0)
    geo_denom = jnp.zeros((n, edge_attr.shape[1]), dtype=x.dtype).at[col].add(edge_attr)
    geo_agg = x + geo_sum / geo_denom
    geo_agg = jnp.where(jnp.isnan(geo_agg), jnp.float32(0.0), geo_agg)
    # node_mlp: Linear -> ReLU -> Dropout(p=0, identity) -> Linear -> ReLU -> Dropout
    h = jax.nn.relu(geo_agg @ W1.T + b1)
    r = jax.nn.relu(h @ W2.T + b2)
    return r

if __name__ == "__main__":
    import jax
    _d = setup_inputs()
    print(jax.jit(kernel)(*tuple(_d.values())))

</pallas_src>

<mosaic_0001>
#map = affine_map<(d0, d1) -> (0, 0)>
#map1 = affine_map<(d0, d1) -> (0)>
module attributes {stable_mosaic.version = 14 : i64} {
  func.func @sc_kernel(%arg0: i32, %arg1: i32, %arg2: memref<1x640000xi32, #tpu.memory_space<hbm>>, %arg3: memref<1x320000xf32, #tpu.memory_space<hbm>>, %arg4: memref<320000xf32, #tpu.memory_space<hbm>>, %arg5: memref<10000xi32, #tpu.memory_space<vmem>>, %arg6: memref<10000xf32, #tpu.memory_space<vmem>>, %arg7: memref<10000xf32, #tpu.memory_space<vmem>>) attributes {dimension_semantics = [#tpu.dimension_semantics<core_parallel>, #tpu.dimension_semantics<subcore_parallel>], iteration_bounds = array<i64: 2, 16>, scalar_prefetch = 0 : i64, scratch_operands = 3 : i64, tpu.core_type = #tpu.core_type<sc_vector_subcore>, window_params = [{transform_indices = #map}, {transform_indices = #map}, {transform_indices = #map1}]} {
    %mul3A = arith.constant 2 : i32
    %mul3A_0 = arith.muli %arg1, %mul3A : i32
    %add3A = arith.addi %mul3A_0, %arg0 : i32
    %mul3A_1 = arith.constant 10000 : i32
    %mul3A_2 = arith.muli %add3A, %mul3A_1 : i32
    %add3A_3 = arith.constant 320000 : i32
    %add3A_4 = arith.addi %add3A_3, %mul3A_2 : i32
    %run_scoped3A = arith.constant 0 : i32
    "tpu.region"() ({
      %run_scoped3A_42 = tpu.sem_alloc : memref<!tpu.dma_semaphore, #tpu.memory_space<semaphore_mem>>
      %dma_start3A = tpu.memref_slice %arg2[%run_scoped3A, %add3A_4] : memref<1x640000xi32, #tpu.memory_space<hbm>> -> memref<1x10000xi32, #tpu.memory_space<hbm>>
      %dma_start3A_43 = tpu.memref_squeeze %dma_start3A : memref<1x10000xi32, #tpu.memory_space<hbm>> -> memref<10000xi32, #tpu.memory_space<hbm>>
      %dma_start3A_44 = tpu.memref_slice %arg2[%run_scoped3A, %add3A_4] : memref<1x640000xi32, #tpu.memory_space<hbm>> -> memref<1x10000xi32, #tpu.memory_space<hbm>>
      %dma_start3A_45 = tpu.memref_squeeze %dma_start3A_44 : memref<1x10000xi32, #tpu.memory_space<hbm>> -> memref<10000xi32, #tpu.memory_space<hbm>>
      tpu.enqueue_dma source(%dma_start3A_45 : memref<10000xi32, #tpu.memory_space<hbm>>) target(%arg5 : memref<10000xi32, #tpu.memory_space<vmem>>) target_semaphore(%run_scoped3A_42 : memref<!tpu.dma_semaphore, #tpu.memory_space<semaphore_mem>>)
      %dma_wait3A = tpu.memref_slice %arg2[%run_scoped3A, %add3A_4] : memref<1x640000xi32, #tpu.memory_space<hbm>> -> memref<1x10000xi32, #tpu.memory_space<hbm>>
      %dma_wait3A_46 = tpu.memref_squeeze %dma_wait3A : memref<1x10000xi32, #tpu.memory_space<hbm>> -> memref<10000xi32, #tpu.memory_space<hbm>>
      %dma_wait3A_47 = tpu.memref_slice %arg2[%run_scoped3A, %add3A_4] : memref<1x640000xi32, #tpu.memory_space<hbm>> -> memref<1x10000xi32, #tpu.memory_space<hbm>>
      %dma_wait3A_48 = tpu.memref_squeeze %dma_wait3A_47 : memref<1x10000xi32, #tpu.memory_space<hbm>> -> memref<10000xi32, #tpu.memory_space<hbm>>
      tpu.wait_dma2 semaphore(%run_scoped3A_42 : memref<!tpu.dma_semaphore, #tpu.memory_space<semaphore_mem>>) src(%dma_wait3A_48 : memref<10000xi32, #tpu.memory_space<hbm>>) dst(%arg5 : memref<10000xi32, #tpu.memory_space<vmem>>)
      tpu.yield
    }) : () -> ()
    %run_scoped3A_5 = arith.constant 0 : i32
    "tpu.region"() ({
      %run_scoped3A_42 = tpu.sem_alloc : memref<!tpu.dma_semaphore, #tpu.memory_space<semaphore_mem>>
      %dma_start3A = tpu.memref_slice %arg3[%run_scoped3A_5, %mul3A_2] : memref<1x320000xf32, #tpu.memory_space<hbm>> -> memref<1x10000xf32, #tpu.memory_space<hbm>>
      %dma_start3A_43 = tpu.memref_squeeze %dma_start3A : memref<1x10000xf32, #tpu.memory_space<hbm>> -> memref<10000xf32, #tpu.memory_space<hbm>>
      %dma_start3A_44 = tpu.memref_slice %arg3[%run_scoped3A_5, %mul3A_2] : memref<1x320000xf32, #tpu.memory_space<hbm>> -> memref<1x10000xf32, #tpu.memory_space<hbm>>
      %dma_start3A_45 = tpu.memref_squeeze %dma_start3A_44 : memref<1x10000xf32, #tpu.memory_space<hbm>> -> memref<10000xf32, #tpu.memory_space<hbm>>
      tpu.enqueue_dma source(%dma_start3A_45 : memref<10000xf32, #tpu.memory_space<hbm>>) target(%arg6 : memref<10000xf32, #tpu.memory_space<vmem>>) target_semaphore(%run_scoped3A_42 : memref<!tpu.dma_semaphore, #tpu.memory_space<semaphore_mem>>)
      %dma_wait3A = tpu.memref_slice %arg3[%run_scoped3A_5, %mul3A_2] : memref<1x320000xf32, #tpu.memory_space<hbm>> -> memref<1x10000xf32, #tpu.memory_space<hbm>>
      %dma_wait3A_46 = tpu.memref_squeeze %dma_wait3A : memref<1x10000xf32, #tpu.memory_space<hbm>> -> memref<10000xf32, #tpu.memory_space<hbm>>
      %dma_wait3A_47 = tpu.memref_slice %arg3[%run_scoped3A_5, %mul3A_2] : memref<1x320000xf32, #tpu.memory_space<hbm>> -> memref<1x10000xf32, #tpu.memory_space<hbm>>
      %dma_wait3A_48 = tpu.memref_squeeze %dma_wait3A_47 : memref<1x10000xf32, #tpu.memory_space<hbm>> -> memref<10000xf32, #tpu.memory_space<hbm>>
      tpu.wait_dma2 semaphore(%run_scoped3A_42 : memref<!tpu.dma_semaphore, #tpu.memory_space<semaphore_mem>>) src(%dma_wait3A_48 : memref<10000xf32, #tpu.memory_space<hbm>>) dst(%arg6 : memref<10000xf32, #tpu.memory_space<vmem>>)
      tpu.yield
    }) : () -> ()
    %broadcast_in_dim3A = arith.constant 0.000000e+00 : f32
    %broadcast_in_dim3A_6 = vector.broadcast %broadcast_in_dim3A : f32 to vector<16xf32>
    %scan3A = arith.constant 0 : i32
    %scan3A_7 = arith.constant 0 : i32
    %scan3A_8 = arith.constant 25 : i32
    %scan3A_9 = arith.addi %scan3A_7, %scan3A_8 : i32
    %scan3A_10 = arith.constant 1 : i32
    scf.for %scan3A_42 = %scan3A_7 to %scan3A_9 step %scan3A_10  : i32 {
      %mul3A_43 = arith.constant 25 : i32
      %mul3A_44 = arith.muli %scan3A_42, %mul3A_43 : i32
      %add3A_45 = arith.constant 0 : i32
      %add3A_46 = arith.addi %mul3A_44, %add3A_45 : i32
      %mul3A_47 = arith.constant 16 : i32
      %mul3A_48 = arith.muli %add3A_46, %mul3A_47 : i32
      %swap3A = arith.index_cast %mul3A_48 : i32 to index
      %swap3A_49 = tpu.vector_load %arg7[%swap3A] {strides = array<i32>} : memref<10000xf32, #tpu.memory_space<vmem>>, vector<16xf32>,
      tpu.vector_store %arg7[%swap3A], %broadcast_in_dim3A_6 {strides = array<i32>} : memref<10000xf32, #tpu.memory_space<vmem>>, vector<16xf32>,
      %mul3A_50 = arith.constant 25 : i32
      %mul3A_51 = arith.muli %scan3A_42, %mul3A_50 : i32
      %add3A_52 = arith.constant 1 : i32
      %add3A_53 = arith.addi %mul3A_51, %add3A_52 : i32
      %mul3A_54 = arith.constant 16 : i32
      %mul3A_55 = arith.muli %add3A_53, %mul3A_54 : i32
      %swap3A_56 = arith.index_cast %mul3A_55 : i32 to index
      %swap3A_57 = tpu.vector_load %arg7[%swap3A_56] {strides = array<i32>} : memref<10000xf32, #tpu.memory_space<vmem>>, vector<16xf32>,
      tpu.vector_store %arg7[%swap3A_56], %broadcast_in_dim3A_6 {strides = array<i32>} : memref<10000xf32, #tpu.memory_space<vmem>>, vector<16xf32>,
      %mul3A_58 = arith.constant 25 : i32
      %mul3A_59 = arith.muli %scan3A_42, %mul3A_58 : i32
      %add3A_60 = arith.constant 2 : i32
      %add3A_61 = arith.addi %mul3A_59, %add3A_60 : i32
      %mul3A_62 = arith.constant 16 : i32
      %mul3A_63 = arith.muli %add3A_61, %mul3A_62 : i32
      %swap3A_64 = arith.index_cast %mul3A_63 : i32 to index
      %swap3A_65 = tpu.vector_load %arg7[%swap3A_64] {strides = array<i32>} : memref<10000xf32, #tpu.memory_space<vmem>>, vector<16xf32>,
      tpu.vector_store %arg7[%swap3A_64], %broadcast_in_dim3A_6 {strides = array<i32>} : memref<10000xf32, #tpu.memory_space<vmem>>, vector<16xf32>,
      %mul3A_66 = arith.constant 25 : i32
      %mul3A_67 = arith.muli %scan3A_42, %mul3A_66 : i32
      %add3A_68 = arith.constant 3 : i32
      %add3A_69 = arith.addi %mul3A_67, %add3A_68 : i32
      %mul3A_70 = arith.constant 16 : i32
      %mul3A_71 = arith.muli %add3A_69, %mul3A_70 : i32
      %swap3A_72 = arith.index_cast %mul3A_71 : i32 to index
      %swap3A_73 = tpu.vector_load %arg7[%swap3A_72] {strides = array<i32>} : memref<10000xf32, #tpu.memory_space<vmem>>, vector<16xf32>,
      tpu.vector_store %arg7[%swap3A_72], %broadcast_in_dim3A_6 {strides = array<i32>} : memref<10000xf32, #tpu.memory_space<vmem>>, vector<16xf32>,
      %mul3A_74 = arith.constant 25 : i32
      %mul3A_75 = arith.muli %scan3A_42, %mul3A_74 : i32
      %add3A_76 = arith.constant 4 : i32
      %add3A_77 = arith.addi %mul3A_75, %add3A_76 : i32
      %mul3A_78 = arith.constant 16 : i32
      %mul3A_79 = arith.muli %add3A_77, %mul3A_78 : i32
      %swap3A_80 = arith.index_cast %mul3A_79 : i32 to index
      %swap3A_81 = tpu.vector_load %arg7[%swap3A_80] {strides = array<i32>} : memref<10000xf32, #tpu.memory_space<vmem>>, vector<16xf32>,
      tpu.vector_store %arg7[%swap3A_80], %broadcast_in_dim3A_6 {strides = array<i32>} : memref<10000xf32, #tpu.memory_space<vmem>>, vector<16xf32>,
      %mul3A_82 = arith.constant 25 : i32
      %mul3A_83 = arith.muli %scan3A_42, %mul3A_82 : i32
      %add3A_84 = arith.constant 5 : i32
      %add3A_85 = arith.addi %mul3A_83, %add3A_84 : i32
      %mul3A_86 = arith.constant 16 : i32
      %mul3A_87 = arith.muli %add3A_85, %mul3A_86 : i32
      %swap3A_88 = arith.index_cast %mul3A_87 : i32 to index
      %swap3A_89 = tpu.vector_load %arg7[%swap3A_88] {strides = array<i32>} : memref<10000xf32, #tpu.memory_space<vmem>>, vector<16xf32>,
      tpu.vector_store %arg7[%swap3A_88], %broadcast_in_dim3A_6 {strides = array<i32>} : memref<10000xf32, #tpu.memory_space<vmem>>, vector<16xf32>,
      %mul3A_90 = arith.constant 25 : i32
      %mul3A_91 = arith.muli %scan3A_42, %mul3A_90 : i32
      %add3A_92 = arith.constant 6 : i32
      %add3A_93 = arith.addi %mul3A_91, %add3A_92 : i32
      %mul3A_94 = arith.constant 16 : i32
      %mul3A_95 = arith.muli %add3A_93, %mul3A_94 : i32
      %swap3A_96 = arith.index_cast %mul3A_95 : i32 to index
      %swap3A_97 = tpu.vector_load %arg7[%swap3A_96] {strides = array<i32>} : memref<10000xf32, #tpu.memory_space<vmem>>, vector<16xf32>,
      tpu.vector_store %arg7[%swap3A_96], %broadcast_in_dim3A_6 {strides = array<i32>} : memref<10000xf32, #tpu.memory_space<vmem>>, vector<16xf32>,
      %mul3A_98 = arith.constant 25 : i32
      %mul3A_99 = arith.muli %scan3A_42, %mul3A_98 : i32
      %add3A_100 = arith.constant 7 : i32
      %add3A_101 = arith.addi %mul3A_99, %add3A_100 : i32
      %mul3A_102 = arith.constant 16 : i32
      %mul3A_103 = arith.muli %add3A_101, %mul3A_102 : i32
      %swap3A_104 = arith.index_cast %mul3A_103 : i32 to index
      %swap3A_105 = tpu.vector_load %arg7[%swap3A_104] {strides = array<i32>} : memref<10000xf32, #tpu.memory_space<vmem>>, vector<16xf32>,
      tpu.vector_store %arg7[%swap3A_104], %broadcast_in_dim3A_6 {strides = array<i32>} : memref<10000xf32, #tpu.memory_space<vmem>>, vector<16xf32>,
      %mul3A_106 = arith.constant 25 : i32
      %mul3A_107 = arith.muli %scan3A_42, %mul3A_106 : i32
      %add3A_108 = arith.constant 8 : i32
      %add3A_109 = arith.addi %mul3A_107, %add3A_108 : i32
      %mul3A_110 = arith.constant 16 : i32
      %mul3A_111 = arith.muli %add3A_109, %mul3A_110 : i32
      %swap3A_112 = arith.index_cast %mul3A_111 : i32 to index
      %swap3A_113 = tpu.vector_load %arg7[%swap3A_112] {strides = array<i32>} : memref<10000xf32, #tpu.memory_space<vmem>>, vector<16xf32>,
      tpu.vector_store %arg7[%swap3A_112], %broadcast_in_dim3A_6 {strides = array<i32>} : memref<10000xf32, #tpu.memory_space<vmem>>, vector<16xf32>,
      %mul3A_114 = arith.constant 25 : i32
      %mul3A_115 = arith.muli %scan3A_42, %mul3A_114 : i32
      %add3A_116 = arith.constant 9 : i32
      %add3A_117 = arith.addi %mul3A_115, %add3A_116 : i32
      %mul3A_118 = arith.constant 16 : i32
      %mul3A_119 = arith.muli %add3A_117, %mul3A_118 : i32
      %swap3A_120 = arith.index_cast %mul3A_119 : i32 to index
      %swap3A_121 = tpu.vector_load %arg7[%swap3A_120] {strides = array<i32>} : memref<10000xf32, #tpu.memory_space<vmem>>, vector<16xf32>,
      tpu.vector_store %arg7[%swap3A_120], %broadcast_in_dim3A_6 {strides = array<i32>} : memref<10000xf32, #tpu.memory_space<vmem>>, vector<16xf32>,
      %mul3A_122 = arith.constant 25 : i32
      %mul3A_123 = arith.muli %scan3A_42, %mul3A_122 : i32
      %add3A_124 = arith.constant 10 : i32
      %add3A_125 = arith.addi %mul3A_123, %add3A_124 : i32
      %mul3A_126 = arith.constant 16 : i32
      %mul3A_127 = arith.muli %add3A_125, %mul3A_126 : i32
      %swap3A_128 = arith.index_cast %mul3A_127 : i32 to index
      %swap3A_129 = tpu.vector_load %arg7[%swap3A_128] {strides = array<i32>} : memref<10000xf32, #tpu.memory_space<vmem>>, vector<16xf32>,
      tpu.vector_store %arg7[%swap3A_128], %broadcast_in_dim3A_6 {strides = array<i32>} : memref<10000xf32, #tpu.memory_space<vmem>>, vector<16xf32>,
      %mul3A_130 = arith.constant 25 : i32
      %mul3A_131 = arith.muli %scan3A_42, %mul3A_130 : i32
      %add3A_132 = arith.constant 11 : i32
      %add3A_133 = arith.addi %mul3A_131, %add3A_132 : i32
      %mul3A_134 = arith.constant 16 : i32
      %mul3A_135 = arith.muli %add3A_133, %mul3A_134 : i32
      %swap3A_136 = arith.index_cast %mul3A_135 : i32 to index
      %swap3A_137 = tpu.vector_load %arg7[%swap3A_136] {strides = array<i32>} : memref<10000xf32, #tpu.memory_space<vmem>>, vector<16xf32>,
      tpu.vector_store %arg7[%swap3A_136], %broadcast_in_dim3A_6 {strides = array<i32>} : memref<10000xf32, #tpu.memory_space<vmem>>, vector<16xf32>,
      %mul3A_138 = arith.constant 25 : i32
      %mul3A_139 = arith.muli %scan3A_42, %mul3A_138 : i32
      %add3A_140 = arith.constant 12 : i32
      %add3A_141 = arith.addi %mul3A_139, %add3A_140 : i32
      %mul3A_142 = arith.constant 16 : i32
      %mul3A_143 = arith.muli %add3A_141, %mul3A_142 : i32
      %swap3A_144 = arith.index_cast %mul3A_143 : i32 to index
      %swap3A_145 = tpu.vector_load %arg7[%swap3A_144] {strides = array<i32>} : memref<10000xf32, #tpu.memory_space<vmem>>, vector<16xf32>,
      tpu.vector_store %arg7[%swap3A_144], %broadcast_in_dim3A_6 {strides = array<i32>} : memref<10000xf32, #tpu.memory_space<vmem>>, vector<16xf32>,
      %mul3A_146 = arith.constant 25 : i32
      %mul3A_147 = arith.muli %scan3A_42, %mul3A_146 : i32
      %add3A_148 = arith.constant 13 : i32
      %add3A_149 = arith.addi %mul3A_147, %add3A_148 : i32
      %mul3A_150 = arith.constant 16 : i32
      %mul3A_151 = arith.muli %add3A_149, %mul3A_150 : i32
      %swap3A_152 = arith.index_cast %mul3A_151 : i32 to index
      %swap3A_153 = tpu.vector_load %arg7[%swap3A_152] {strides = array<i32>} : memref<10000xf32, #tpu.memory_space<vmem>>, vector<16xf32>,
      tpu.vector_store %arg7[%swap3A_152], %broadcast_in_dim3A_6 {strides = array<i32>} : memref<10000xf32, #tpu.memory_space<vmem>>, vector<16xf32>,
      %mul3A_154 = arith.constant 25 : i32
      %mul3A_155 = arith.muli %scan3A_42, %mul3A_154 : i32
      %add3A_156 = arith.constant 14 : i32
      %add3A_157 = arith.addi %mul3A_155, %add3A_156 : i32
      %mul3A_158 = arith.constant 16 : i32
      %mul3A_159 = arith.muli %add3A_157, %mul3A_158 : i32
      %swap3A_160 = arith.index_cast %mul3A_159 : i32 to index
      %swap3A_161 = tpu.vector_load %arg7[%swap3A_160] {strides = array<i32>} : memref<10000xf32, #tpu.memory_space<vmem>>, vector<16xf32>,
      tpu.vector_store %arg7[%swap3A_160], %broadcast_in_dim3A_6 {strides = array<i32>} : memref<10000xf32, #tpu.memory_space<vmem>>, vector<16xf32>,
      %mul3A_162 = arith.constant 25 : i32
      %mul3A_163 = arith.muli %scan3A_42, %mul3A_162 : i32
      %add3A_164 = arith.constant 15 : i32
      %add3A_165 = arith.addi %mul3A_163, %add3A_164 : i32
      %mul3A_166 = arith.constant 16 : i32
      %mul3A_167 = arith.muli %add3A_165, %mul3A_166 : i32
      %swap3A_168 = arith.index_cast %mul3A_167 : i32 to index
      %swap3A_169 = tpu.vector_load %arg7[%swap3A_168] {strides = array<i32>} : memref<10000xf32, #tpu.memory_space<vmem>>, vector<16xf32>,
      tpu.vector_store %arg7[%swap3A_168], %broadcast_in_dim3A_6 {strides = array<i32>} : memref<10000xf32, #tpu.memory_space<vmem>>, vector<16xf32>,
      %mul3A_170 = arith.constant 25 : i32
      %mul3A_171 = arith.muli %scan3A_42, %mul3A_170 : i32
      %add3A_172 = arith.constant 16 : i32
      %add3A_173 = arith.addi %mul3A_171, %add3A_172 : i32
      %mul3A_174 = arith.constant 16 : i32
      %mul3A_175 = arith.muli %add3A_173, %mul3A_174 : i32
      %swap3A_176 = arith.index_cast %mul3A_175 : i32 to index
      %swap3A_177 = tpu.vector_load %arg7[%swap3A_176] {strides = array<i32>} : memref<10000xf32, #tpu.memory_space<vmem>>, vector<16xf32>,
      tpu.vector_store %arg7[%swap3A_176], %broadcast_in_dim3A_6 {strides = array<i32>} : memref<10000xf32, #tpu.memory_space<vmem>>, vector<16xf32>,
      %mul3A_178 = arith.constant 25 : i32
      %mul3A_179 = arith.muli %scan3A_42, %mul3A_178 : i32
      %add3A_180 = arith.constant 17 : i32
      %add3A_181 = arith.addi %mul3A_179, %add3A_180 : i32
      %mul3A_182 = arith.constant 16 : i32
      %mul3A_183 = arith.muli %add3A_181, %mul3A_182 : i32
      %swap3A_184 = arith.index_cast %mul3A_183 : i32 to index
      %swap3A_185 = tpu.vector_load %arg7[%swap3A_184] {strides = array<i32>} : memref<10000xf32, #tpu.memory_space<vmem>>, vector<16xf32>,
      tpu.vector_store %arg7[%swap3A_184], %broadcast_in_dim3A_6 {strides = array<i32>} : memref<10000xf32, #tpu.memory_space<vmem>>, vector<16xf32>,
      %mul3A_186 = arith.constant 25 : i32
      %mul3A_187 = arith.muli %scan3A_42, %mul3A_186 : i32
      %add3A_188 = arith.constant 18 : i32
      %add3A_189 = arith.addi %mul3A_187, %add3A_188 : i32
      %mul3A_190 = arith.constant 16 : i32
      %mul3A_191 = arith.muli %add3A_189, %mul3A_190 : i32
      %swap3A_192 = arith.index_cast %mul3A_191 : i32 to index
      %swap3A_193 = tpu.vector_load %arg7[%swap3A_192] {strides = array<i32>} : memref<10000xf32, #tpu.memory_space<vmem>>, vector<16xf32>,
      tpu.vector_store %arg7[%swap3A_192], %broadcast_in_dim3A_6 {strides = array<i32>} : memref<10000xf32, #tpu.memory_space<vmem>>, vector<16xf32>,
      %mul3A_194 = arith.constant 25 : i32
      %mul3A_195 = arith.muli %scan3A_42, %mul3A_194 : i32
      %add3A_196 = arith.constant 19 : i32
      %add3A_197 = arith.addi %mul3A_195, %add3A_196 : i32
      %mul3A_198 = arith.constant 16 : i32
      %mul3A_199 = arith.muli %add3A_197, %mul3A_198 : i32
      %swap3A_200 = arith.index_cast %mul3A_199 : i32 to index
      %swap3A_201 = tpu.vector_load %arg7[%swap3A_200] {strides = array<i32>} : memref<10000xf32, #tpu.memory_space<vmem>>, vector<16xf32>,
      tpu.vector_store %arg7[%swap3A_200], %broadcast_in_dim3A_6 {strides = array<i32>} : memref<10000xf32, #tpu.memory_space<vmem>>, vector<16xf32>,
      %mul3A_202 = arith.constant 25 : i32
      %mul3A_203 = arith.muli %scan3A_42, %mul3A_202 : i32
      %add3A_204 = arith.constant 20 : i32
      %add3A_205 = arith.addi %mul3A_203, %add3A_204 : i32
      %mul3A_206 = arith.constant 16 : i32
      %mul3A_207 = arith.muli %add3A_205, %mul3A_206 : i32
      %swap3A_208 = arith.index_cast %mul3A_207 : i32 to index
      %swap3A_209 = tpu.vector_load %arg7[%swap3A_208] {strides = array<i32>} : memref<10000xf32, #tpu.memory_space<vmem>>, vector<16xf32>,
      tpu.vector_store %arg7[%swap3A_208], %broadcast_in_dim3A_6 {strides = array<i32>} : memref<10000xf32, #tpu.memory_space<vmem>>, vector<16xf32>,
      %mul3A_210 = arith.constant 25 : i32
      %mul3A_211 = arith.muli %scan3A_42, %mul3A_210 : i32
      %add3A_212 = arith.constant 21 : i32
      %add3A_213 = arith.addi %mul3A_211, %add3A_212 : i32
      %mul3A_214 = arith.constant 16 : i32
      %mul3A_215 = arith.muli %add3A_213, %mul3A_214 : i32
      %swap3A_216 = arith.index_cast %mul3A_215 : i32 to index
      %swap3A_217 = tpu.vector_load %arg7[%swap3A_216] {strides = array<i32>} : memref<10000xf32, #tpu.memory_space<vmem>>, vector<16xf32>,
      tpu.vector_store %arg7[%swap3A_216], %broadcast_in_dim3A_6 {strides = array<i32>} : memref<10000xf32, #tpu.memory_space<vmem>>, vector<16xf32>,
      %mul3A_218 = arith.constant 25 : i32
      %mul3A_219 = arith.muli %scan3A_42, %mul3A_218 : i32
      %add3A_220 = arith.constant 22 : i32
      %add3A_221 = arith.addi %mul3A_219, %add3A_220 : i32
      %mul3A_222 = arith.constant 16 : i32
      %mul3A_223 = arith.muli %add3A_221, %mul3A_222 : i32
      %swap3A_224 = arith.index_cast %mul3A_223 : i32 to index
      %swap3A_225 = tpu.vector_load %arg7[%swap3A_224] {strides = array<i32>} : memref<10000xf32, #tpu.memory_space<vmem>>, vector<16xf32>,
      tpu.vector_store %arg7[%swap3A_224], %broadcast_in_dim3A_6 {strides = array<i32>} : memref<10000xf32, #tpu.memory_space<vmem>>, vector<16xf32>,
      %mul3A_226 = arith.constant 25 : i32
      %mul3A_227 = arith.muli %scan3A_42, %mul3A_226 : i32
      %add3A_228 = arith.constant 23 : i32
      %add3A_229 = arith.addi %mul3A_227, %add3A_228 : i32
      %mul3A_230 = arith.constant 16 : i32
      %mul3A_231 = arith.muli %add3A_229, %mul3A_230 : i32
      %swap3A_232 = arith.index_cast %mul3A_231 : i32 to index
      %swap3A_233 = tpu.vector_load %arg7[%swap3A_232] {strides = array<i32>} : memref<10000xf32, #tpu.memory_space<vmem>>, vector<16xf32>,
      tpu.vector_store %arg7[%swap3A_232], %broadcast_in_dim3A_6 {strides = array<i32>} : memref<10000xf32, #tpu.memory_space<vmem>>, vector<16xf32>,
      %mul3A_234 = arith.constant 25 : i32
      %mul3A_235 = arith.muli %scan3A_42, %mul3A_234 : i32
      %add3A_236 = arith.constant 24 : i32
      %add3A_237 = arith.addi %mul3A_235, %add3A_236 : i32
      %mul3A_238 = arith.constant 16 : i32
      %mul3A_239 = arith.muli %add3A_237, %mul3A_238 : i32
      %swap3A_240 = arith.index_cast %mul3A_239 : i32 to index
      %swap3A_241 = tpu.vector_load %arg7[%swap3A_240] {strides = array<i32>} : memref<10000xf32, #tpu.memory_space<vmem>>, vector<16xf32>,
      tpu.vector_store %arg7[%swap3A_240], %broadcast_in_dim3A_6 {strides = array<i32>} : memref<10000xf32, #tpu.memory_space<vmem>>, vector<16xf32>,
    }
    %scan3A_11 = arith.constant 25 : i32
    %scan3A_12 = arith.constant 0 : i32
    %scan3A_13 = arith.constant 0 : i32
    %scan3A_14 = arith.constant 25 : i32
    %scan3A_15 = arith.addi %scan3A_13, %scan3A_14 : i32
    %scan3A_16 = arith.constant 1 : i32
    scf.for %scan3A_42 = %scan3A_13 to %scan3A_15 step %scan3A_16  : i32 {
      %mul3A_43 = arith.constant 25 : i32
      %mul3A_44 = arith.muli %scan3A_42, %mul3A_43 : i32
      %add3A_45 = arith.constant 0 : i32
      %add3A_46 = arith.addi %mul3A_44, %add3A_45 : i32
      %mul3A_47 = arith.constant 16 : i32
      %mul3A_48 = arith.muli %add3A_46, %mul3A_47 : i32
      %get3A = arith.index_cast %mul3A_48 : i32 to index
      %get3A_49 = tpu.vector_load %arg5[%get3A] {strides = array<i32>} : memref<10000xi32, #tpu.memory_space<vmem>>, vector<16xi32>,
      %get3A_50 = arith.index_cast %mul3A_48 : i32 to index
      %get3A_51 = tpu.vector_load %arg6[%get3A_50] {strides = array<i32>} : memref<10000xf32, #tpu.memory_space<vmem>>, vector<16xf32>,
      tpu.vector_store_idx %arg7[%get3A_49], %get3A_51 {add = true} : memref<10000xf32, #tpu.memory_space<vmem>>[vector<16xi32>], vector<16xf32>,
      %mul3A_52 = arith.constant 25 : i32
      %mul3A_53 = arith.muli %scan3A_42, %mul3A_52 : i32
      %add3A_54 = arith.constant 1 : i32
      %add3A_55 = arith.addi %mul3A_53, %add3A_54 : i32
      %mul3A_56 = arith.constant 16 : i32
      %mul3A_57 = arith.muli %add3A_55, %mul3A_56 : i32
      %get3A_58 = arith.index_cast %mul3A_57 : i32 to index
      %get3A_59 = tpu.vector_load %arg5[%get3A_58] {strides = array<i32>} : memref<10000xi32, #tpu.memory_space<vmem>>, vector<16xi32>,
      %get3A_60 = arith.index_cast %mul3A_57 : i32 to index
      %get3A_61 = tpu.vector_load %arg6[%get3A_60] {strides = array<i32>} : memref<10000xf32, #tpu.memory_space<vmem>>, vector<16xf32>,
      tpu.vector_store_idx %arg7[%get3A_59], %get3A_61 {add = true} : memref<10000xf32, #tpu.memory_space<vmem>>[vector<16xi32>], vector<16xf32>,
      %mul3A_62 = arith.constant 25 : i32
      %mul3A_63 = arith.muli %scan3A_42, %mul3A_62 : i32
      %add3A_64 = arith.constant 2 : i32
      %add3A_65 = arith.addi %mul3A_63, %add3A_64 : i32
      %mul3A_66 = arith.constant 16 : i32
      %mul3A_67 = arith.muli %add3A_65, %mul3A_66 : i32
      %get3A_68 = arith.index_cast %mul3A_67 : i32 to index
      %get3A_69 = tpu.vector_load %arg5[%get3A_68] {strides = array<i32>} : memref<10000xi32, #tpu.memory_space<vmem>>, vector<16xi32>,
      %get3A_70 = arith.index_cast %mul3A_67 : i32 to index
      %get3A_71 = tpu.vector_load %arg6[%get3A_70] {strides = array<i32>} : memref<10000xf32, #tpu.memory_space<vmem>>, vector<16xf32>,
      tpu.vector_store_idx %arg7[%get3A_69], %get3A_71 {add = true} : memref<10000xf32, #tpu.memory_space<vmem>>[vector<16xi32>], vector<16xf32>,
      %mul3A_72 = arith.constant 25 : i32
      %mul3A_73 = arith.muli %scan3A_42, %mul3A_72 : i32
      %add3A_74 = arith.constant 3 : i32
      %add3A_75 = arith.addi %mul3A_73, %add3A_74 : i32
      %mul3A_76 = arith.constant 16 : i32
      %mul3A_77 = arith.muli %add3A_75, %mul3A_76 : i32
      %get3A_78 = arith.index_cast %mul3A_77 : i32 to index
      %get3A_79 = tpu.vector_load %arg5[%get3A_78] {strides = array<i32>} : memref<10000xi32, #tpu.memory_space<vmem>>, vector<16xi32>,
      %get3A_80 = arith.index_cast %mul3A_77 : i32 to index
      %get3A_81 = tpu.vector_load %arg6[%get3A_80] {strides = array<i32>} : memref<10000xf32, #tpu.memory_space<vmem>>, vector<16xf32>,
      tpu.vector_store_idx %arg7[%get3A_79], %get3A_81 {add = true} : memref<10000xf32, #tpu.memory_space<vmem>>[vector<16xi32>], vector<16xf32>,
      %mul3A_82 = arith.constant 25 : i32
      %mul3A_83 = arith.muli %scan3A_42, %mul3A_82 : i32
      %add3A_84 = arith.constant 4 : i32
      %add3A_85 = arith.addi %mul3A_83, %add3A_84 : i32
      %mul3A_86 = arith.constant 16 : i32
      %mul3A_87 = arith.muli %add3A_85, %mul3A_86 : i32
      %get3A_88 = arith.index_cast %mul3A_87 : i32 to index
      %get3A_89 = tpu.vector_load %arg5[%get3A_88] {strides = array<i32>} : memref<10000xi32, #tpu.memory_space<vmem>>, vector<16xi32>,
      %get3A_90 = arith.index_cast %mul3A_87 : i32 to index
      %get3A_91 = tpu.vector_load %arg6[%get3A_90] {strides = array<i32>} : memref<10000xf32, #tpu.memory_space<vmem>>, vector<16xf32>,
      tpu.vector_store_idx %arg7[%get3A_89], %get3A_91 {add = true} : memref<10000xf32, #tpu.memory_space<vmem>>[vector<16xi32>], vector<16xf32>,
      %mul3A_92 = arith.constant 25 : i32
      %mul3A_93 = arith.muli %scan3A_42, %mul3A_92 : i32
      %add3A_94 = arith.constant 5 : i32
      %add3A_95 = arith.addi %mul3A_93, %add3A_94 : i32
      %mul3A_96 = arith.constant 16 : i32
      %mul3A_97 = arith.muli %add3A_95, %mul3A_96 : i32
      %get3A_98 = arith.index_cast %mul3A_97 : i32 to index
      %get3A_99 = tpu.vector_load %arg5[%get3A_98] {strides = array<i32>} : memref<10000xi32, #tpu.memory_space<vmem>>, vector<16xi32>,
      %get3A_100 = arith.index_cast %mul3A_97 : i32 to index
      %get3A_101 = tpu.vector_load %arg6[%get3A_100] {strides = array<i32>} : memref<10000xf32, #tpu.memory_space<vmem>>, vector<16xf32>,
      tpu.vector_store_idx %arg7[%get3A_99], %get3A_101 {add = true} : memref<10000xf32, #tpu.memory_space<vmem>>[vector<16xi32>], vector<16xf32>,
      %mul3A_102 = arith.constant 25 : i32
      %mul3A_103 = arith.muli %scan3A_42, %mul3A_102 : i32
      %add3A_104 = arith.constant 6 : i32
      %add3A_105 = arith.addi %mul3A_103, %add3A_104 : i32
      %mul3A_106 = arith.constant 16 : i32
      %mul3A_107 = arith.muli %add3A_105, %mul3A_106 : i32
      %get3A_108 = arith.index_cast %mul3A_107 : i32 to index
      %get3A_109 = tpu.vector_load %arg5[%get3A_108] {strides = array<i32>} : memref<10000xi32, #tpu.memory_space<vmem>>, vector<16xi32>,
      %get3A_110 = arith.index_cast %mul3A_107 : i32 to index
      %get3A_111 = tpu.vector_load %arg6[%get3A_110] {strides = array<i32>} : memref<10000xf32, #tpu.memory_space<vmem>>, vector<16xf32>,
      tpu.vector_store_idx %arg7[%get3A_109], %get3A_111 {add = true} : memref<10000xf32, #tpu.memory_space<vmem>>[vector<16xi32>], vector<16xf32>,
      %mul3A_112 = arith.constant 25 : i32
      %mul3A_113 = arith.muli %scan3A_42, %mul3A_112 : i32
      %add3A_114 = arith.constant 7 : i32
      %add3A_115 = arith.addi %mul3A_113, %add3A_114 : i32
      %mul3A_116 = arith.constant 16 : i32
      %mul3A_117 = arith.muli %add3A_115, %mul3A_116 : i32
      %get3A_118 = arith.index_cast %mul3A_117 : i32 to index
      %get3A_119 = tpu.vector_load %arg5[%get3A_118] {strides = array<i32>} : memref<10000xi32, #tpu.memory_space<vmem>>, vector<16xi32>,
      %get3A_120 = arith.index_cast %mul3A_117 : i32 to index
      %get3A_121 = tpu.vector_load %arg6[%get3A_120] {strides = array<i32>} : memref<10000xf32, #tpu.memory_space<vmem>>, vector<16xf32>,
      tpu.vector_store_idx %arg7[%get3A_119], %get3A_121 {add = true} : memref<10000xf32, #tpu.memory_space<vmem>>[vector<16xi32>], vector<16xf32>,
      %mul3A_122 = arith.constant 25 : i32
      %mul3A_123 = arith.muli %scan3A_42, %mul3A_122 : i32
      %add3A_124 = arith.constant 8 : i32
      %add3A_125 = arith.addi %mul3A_123, %add3A_124 : i32
      %mul3A_126 = arith.constant 16 : i32
      %mul3A_127 = arith.muli %add3A_125, %mul3A_126 : i32
      %get3A_128 = arith.index_cast %mul3A_127 : i32 to index
      %get3A_129 = tpu.vector_load %arg5[%get3A_128] {strides = array<i32>} : memref<10000xi32, #tpu.memory_space<vmem>>, vector<16xi32>,
      %get3A_130 = arith.index_cast %mul3A_127 : i32 to index
      %get3A_131 = tpu.vector_load %arg6[%get3A_130] {strides = array<i32>} : memref<10000xf32, #tpu.memory_space<vmem>>, vector<16xf32>,
      tpu.vector_store_idx %arg7[%get3A_129], %get3A_131 {add = true} : memref<10000xf32, #tpu.memory_space<vmem>>[vector<16xi32>], vector<16xf32>,
      %mul3A_132 = arith.constant 25 : i32
      %mul3A_133 = arith.muli %scan3A_42, %mul3A_132 : i32
      %add3A_134 = arith.constant 9 : i32
      %add3A_135 = arith.addi %mul3A_133, %add3A_134 : i32
      %mul3A_136 = arith.constant 16 : i32
      %mul3A_137 = arith.muli %add3A_135, %mul3A_136 : i32
      %get3A_138 = arith.index_cast %mul3A_137 : i32 to index
      %get3A_139 = tpu.vector_load %arg5[%get3A_138] {strides = array<i32>} : memref<10000xi32, #tpu.memory_space<vmem>>, vector<16xi32>,
      %get3A_140 = arith.index_cast %mul3A_137 : i32 to index
      %get3A_141 = tpu.vector_load %arg6[%get3A_140] {strides = array<i32>} : memref<10000xf32, #tpu.memory_space<vmem>>, vector<16xf32>,
      tpu.vector_store_idx %arg7[%get3A_139], %get3A_141 {add = true} : memref<10000xf32, #tpu.memory_space<vmem>>[vector<16xi32>], vector<16xf32>,
      %mul3A_142 = arith.constant 25 : i32
      %mul3A_143 = arith.muli %scan3A_42, %mul3A_142 : i32
      %add3A_144 = arith.constant 10 : i32
      %add3A_145 = arith.addi %mul3A_143, %add3A_144 : i32
      %mul3A_146 = arith.constant 16 : i32
      %mul3A_147 = arith.muli %add3A_145, %mul3A_146 : i32
      %get3A_148 = arith.index_cast %mul3A_147 : i32 to index
      %get3A_149 = tpu.vector_load %arg5[%get3A_148] {strides = array<i32>} : memref<10000xi32, #tpu.memory_space<vmem>>, vector<16xi32>,
      %get3A_150 = arith.index_cast %mul3A_147 : i32 to index
      %get3A_151 = tpu.vector_load %arg6[%get3A_150] {strides = array<i32>} : memref<10000xf32, #tpu.memory_space<vmem>>, vector<16xf32>,
      tpu.vector_store_idx %arg7[%get3A_149], %get3A_151 {add = true} : memref<10000xf32, #tpu.memory_space<vmem>>[vector<16xi32>], vector<16xf32>,
      %mul3A_152 = arith.constant 25 : i32
      %mul3A_153 = arith.muli %scan3A_42, %mul3A_152 : i32
      %add3A_154 = arith.constant 11 : i32
      %add3A_155 = arith.addi %mul3A_153, %add3A_154 : i32
      %mul3A_156 = arith.constant 16 : i32
      %mul3A_157 = arith.muli %add3A_155, %mul3A_156 : i32
      %get3A_158 = arith.index_cast %mul3A_157 : i32 to index
      %get3A_159 = tpu.vector_load %arg5[%get3A_158] {strides = array<i32>} : memref<10000xi32, #tpu.memory_space<vmem>>, vector<16xi32>,
      %get3A_160 = arith.index_cast %mul3A_157 : i32 to index
      %get3A_161 = tpu.vector_load %arg6[%get3A_160] {strides = array<i32>} : memref<10000xf32, #tpu.memory_space<vmem>>, vector<16xf32>,
      tpu.vector_store_idx %arg7[%get3A_159], %get3A_161 {add = true} : memref<10000xf32, #tpu.memory_space<vmem>>[vector<16xi32>], vector<16xf32>,
      %mul3A_162 = arith.constant 25 : i32
      %mul3A_163 = arith.muli %scan3A_42, %mul3A_162 : i32
      %add3A_164 = arith.constant 12 : i32
      %add3A_165 = arith.addi %mul3A_163, %add3A_164 : i32
      %mul3A_166 = arith.constant 16 : i32
      %mul3A_167 = arith.muli %add3A_165, %mul3A_166 : i32
      %get3A_168 = arith.index_cast %mul3A_167 : i32 to index
      %get3A_169 = tpu.vector_load %arg5[%get3A_168] {strides = array<i32>} : memref<10000xi32, #tpu.memory_space<vmem>>, vector<16xi32>,
      %get3A_170 = arith.index_cast %mul3A_167 : i32 to index
      %get3A_171 = tpu.vector_load %arg6[%get3A_170] {strides = array<i32>} : memref<10000xf32, #tpu.memory_space<vmem>>, vector<16xf32>,
      tpu.vector_store_idx %arg7[%get3A_169], %get3A_171 {add = true} : memref<10000xf32, #tpu.memory_space<vmem>>[vector<16xi32>], vector<16xf32>,
      %mul3A_172 = arith.constant 25 : i32
      %mul3A_173 = arith.muli %scan3A_42, %mul3A_172 : i32
      %add3A_174 = arith.constant 13 : i32
      %add3A_175 = arith.addi %mul3A_173, %add3A_174 : i32
      %mul3A_176 = arith.constant 16 : i32
      %mul3A_177 = arith.muli %add3A_175, %mul3A_176 : i32
      %get3A_178 = arith.index_cast %mul3A_177 : i32 to index
      %get3A_179 = tpu.vector_load %arg5[%get3A_178] {strides = array<i32>} : memref<10000xi32, #tpu.memory_space<vmem>>, vector<16xi32>,
      %get3A_180 = arith.index_cast %mul3A_177 : i32 to index
      %get3A_181 = tpu.vector_load %arg6[%get3A_180] {strides = array<i32>} : memref<10000xf32, #tpu.memory_space<vmem>>, vector<16xf32>,
      tpu.vector_store_idx %arg7[%get3A_179], %get3A_181 {add = true} : memref<10000xf32, #tpu.memory_space<vmem>>[vector<16xi32>], vector<16xf32>,
      %mul3A_182 = arith.constant 25 : i32
      %mul3A_183 = arith.muli %scan3A_42, %mul3A_182 : i32
      %add3A_184 = arith.constant 14 : i32
      %add3A_185 = arith.addi %mul3A_183, %add3A_184 : i32
      %mul3A_186 = arith.constant 16 : i32
      %mul3A_187 = arith.muli %add3A_185, %mul3A_186 : i32
      %get3A_188 = arith.index_cast %mul3A_187 : i32 to index
      %get3A_189 = tpu.vector_load %arg5[%get3A_188] {strides = array<i32>} : memref<10000xi32, #tpu.memory_space<vmem>>, vector<16xi32>,
      %get3A_190 = arith.index_cast %mul3A_187 : i32 to index
      %get3A_191 = tpu.vector_load %arg6[%get3A_190] {strides = array<i32>} : memref<10000xf32, #tpu.memory_space<vmem>>, vector<16xf32>,
      tpu.vector_store_idx %arg7[%get3A_189], %get3A_191 {add = true} : memref<10000xf32, #tpu.memory_space<vmem>>[vector<16xi32>], vector<16xf32>,
      %mul3A_192 = arith.constant 25 : i32
      %mul3A_193 = arith.muli %scan3A_42, %mul3A_192 : i32
      %add3A_194 = arith.constant 15 : i32
      %add3A_195 = arith.addi %mul3A_193, %add3A_194 : i32
      %mul3A_196 = arith.constant 16 : i32
      %mul3A_197 = arith.muli %add3A_195, %mul3A_196 : i32
      %get3A_198 = arith.index_cast %mul3A_197 : i32 to index
      %get3A_199 = tpu.vector_load %arg5[%get3A_198] {strides = array<i32>} : memref<10000xi32, #tpu.memory_space<vmem>>, vector<16xi32>,
      %get3A_200 = arith.index_cast %mul3A_197 : i32 to index
      %get3A_201 = tpu.vector_load %arg6[%get3A_200] {strides = array<i32>} : memref<10000xf32, #tpu.memory_space<vmem>>, vector<16xf32>,
      tpu.vector_store_idx %arg7[%get3A_199], %get3A_201 {add = true} : memref<10000xf32, #tpu.memory_space<vmem>>[vector<16xi32>], vector<16xf32>,
      %mul3A_202 = arith.constant 25 : i32
      %mul3A_203 = arith.muli %scan3A_42, %mul3A_202 : i32
      %add3A_204 = arith.constant 16 : i32
      %add3A_205 = arith.addi %mul3A_203, %add3A_204 : i32
      %mul3A_206 = arith.constant 16 : i32
      %mul3A_207 = arith.muli %add3A_205, %mul3A_206 : i32
      %get3A_208 = arith.index_cast %mul3A_207 : i32 to index
      %get3A_209 = tpu.vector_load %arg5[%get3A_208] {strides = array<i32>} : memref<10000xi32, #tpu.memory_space<vmem>>, vector<16xi32>,
      %get3A_210 = arith.index_cast %mul3A_207 : i32 to index
      %get3A_211 = tpu.vector_load %arg6[%get3A_210] {strides = array<i32>} : memref<10000xf32, #tpu.memory_space<vmem>>, vector<16xf32>,
      tpu.vector_store_idx %arg7[%get3A_209], %get3A_211 {add = true} : memref<10000xf32, #tpu.memory_space<vmem>>[vector<16xi32>], vector<16xf32>,
      %mul3A_212 = arith.constant 25 : i32
      %mul3A_213 = arith.muli %scan3A_42, %mul3A_212 : i32
      %add3A_214 = arith.constant 17 : i32
      %add3A_215 = arith.addi %mul3A_213, %add3A_214 : i32
      %mul3A_216 = arith.constant 16 : i32
      %mul3A_217 = arith.muli %add3A_215, %mul3A_216 : i32
      %get3A_218 = arith.index_cast %mul3A_217 : i32 to index
      %get3A_219 = tpu.vector_load %arg5[%get3A_218] {strides = array<i32>} : memref<10000xi32, #tpu.memory_space<vmem>>, vector<16xi32>,
      %get3A_220 = arith.index_cast %mul3A_217 : i32 to index
      %get3A_221 = tpu.vector_load %arg6[%get3A_220] {strides = array<i32>} : memref<10000xf32, #tpu.memory_space<vmem>>, vector<16xf32>,
      tpu.vector_store_idx %arg7[%get3A_219], %get3A_221 {add = true} : memref<10000xf32, #tpu.memory_space<vmem>>[vector<16xi32>], vector<16xf32>,
      %mul3A_222 = arith.constant 25 : i32
      %mul3A_223 = arith.muli %scan3A_42, %mul3A_222 : i32
      %add3A_224 = arith.constant 18 : i32
      %add3A_225 = arith.addi %mul3A_223, %add3A_224 : i32
      %mul3A_226 = arith.constant 16 : i32
      %mul3A_227 = arith.muli %add3A_225, %mul3A_226 : i32
      %get3A_228 = arith.index_cast %mul3A_227 : i32 to index
      %get3A_229 = tpu.vector_load %arg5[%get3A_228] {strides = array<i32>} : memref<10000xi32, #tpu.memory_space<vmem>>, vector<16xi32>,
      %get3A_230 = arith.index_cast %mul3A_227 : i32 to index
      %get3A_231 = tpu.vector_load %arg6[%get3A_230] {strides = array<i32>} : memref<10000xf32, #tpu.memory_space<vmem>>, vector<16xf32>,
      tpu.vector_store_idx %arg7[%get3A_229], %get3A_231 {add = true} : memref<10000xf32, #tpu.memory_space<vmem>>[vector<16xi32>], vector<16xf32>,
      %mul3A_232 = arith.constant 25 : i32
      %mul3A_233 = arith.muli %scan3A_42, %mul3A_232 : i32
      %add3A_234 = arith.constant 19 : i32
      %add3A_235 = arith.addi %mul3A_233, %add3A_234 : i32
      %mul3A_236 = arith.constant 16 : i32
      %mul3A_237 = arith.muli %add3A_235, %mul3A_236 : i32
      %get3A_238 = arith.index_cast %mul3A_237 : i32 to index
      %get3A_239 = tpu.vector_load %arg5[%get3A_238] {strides = array<i32>} : memref<10000xi32, #tpu.memory_space<vmem>>, vector<16xi32>,
      %get3A_240 = arith.index_cast %mul3A_237 : i32 to index
      %get3A_241 = tpu.vector_load %arg6[%get3A_240] {strides = array<i32>} : memref<10000xf32, #tpu.memory_space<vmem>>, vector<16xf32>,
      tpu.vector_store_idx %arg7[%get3A_239], %get3A_241 {add = true} : memref<10000xf32, #tpu.memory_space<vmem>>[vector<16xi32>], vector<16xf32>,
      %mul3A_242 = arith.constant 25 : i32
      %mul3A_243 = arith.muli %scan3A_42, %mul3A_242 : i32
      %add3A_244 = arith.constant 20 : i32
      %add3A_245 = arith.addi %mul3A_243, %add3A_244 : i32
      %mul3A_246 = arith.constant 16 : i32
      %mul3A_247 = arith.muli %add3A_245, %mul3A_246 : i32
      %get3A_248 = arith.index_cast %mul3A_247 : i32 to index
      %get3A_249 = tpu.vector_load %arg5[%get3A_248] {strides = array<i32>} : memref<10000xi32, #tpu.memory_space<vmem>>, vector<16xi32>,
      %get3A_250 = arith.index_cast %mul3A_247 : i32 to index
      %get3A_251 = tpu.vector_load %arg6[%get3A_250] {strides = array<i32>} : memref<10000xf32, #tpu.memory_space<vmem>>, vector<16xf32>,
      tpu.vector_store_idx %arg7[%get3A_249], %get3A_251 {add = true} : memref<10000xf32, #tpu.memory_space<vmem>>[vector<16xi32>], vector<16xf32>,
      %mul3A_252 = arith.constant 25 : i32
      %mul3A_253 = arith.muli %scan3A_42, %mul3A_252 : i32
      %add3A_254 = arith.constant 21 : i32
      %add3A_255 = arith.addi %mul3A_253, %add3A_254 : i32
      %mul3A_256 = arith.constant 16 : i32
      %mul3A_257 = arith.muli %add3A_255, %mul3A_256 : i32
      %get3A_258 = arith.index_cast %mul3A_257 : i32 to index
      %get3A_259 = tpu.vector_load %arg5[%get3A_258] {strides = array<i32>} : memref<10000xi32, #tpu.memory_space<vmem>>, vector<16xi32>,
      %get3A_260 = arith.index_cast %mul3A_257 : i32 to index
      %get3A_261 = tpu.vector_load %arg6[%get3A_260] {strides = array<i32>} : memref<10000xf32, #tpu.memory_space<vmem>>, vector<16xf32>,
      tpu.vector_store_idx %arg7[%get3A_259], %get3A_261 {add = true} : memref<10000xf32, #tpu.memory_space<vmem>>[vector<16xi32>], vector<16xf32>,
      %mul3A_262 = arith.constant 25 : i32
      %mul3A_263 = arith.muli %scan3A_42, %mul3A_262 : i32
      %add3A_264 = arith.constant 22 : i32
      %add3A_265 = arith.addi %mul3A_263, %add3A_264 : i32
      %mul3A_266 = arith.constant 16 : i32
      %mul3A_267 = arith.muli %add3A_265, %mul3A_266 : i32
      %get3A_268 = arith.index_cast %mul3A_267 : i32 to index
      %get3A_269 = tpu.vector_load %arg5[%get3A_268] {strides = array<i32>} : memref<10000xi32, #tpu.memory_space<vmem>>, vector<16xi32>,
      %get3A_270 = arith.index_cast %mul3A_267 : i32 to index
      %get3A_271 = tpu.vector_load %arg6[%get3A_270] {strides = array<i32>} : memref<10000xf32, #tpu.memory_space<vmem>>, vector<16xf32>,
      tpu.vector_store_idx %arg7[%get3A_269], %get3A_271 {add = true} : memref<10000xf32, #tpu.memory_space<vmem>>[vector<16xi32>], vector<16xf32>,
      %mul3A_272 = arith.constant 25 : i32
      %mul3A_273 = arith.muli %scan3A_42, %mul3A_272 : i32
      %add3A_274 = arith.constant 23 : i32
      %add3A_275 = arith.addi %mul3A_273, %add3A_274 : i32
      %mul3A_276 = arith.constant 16 : i32
      %mul3A_277 = arith.muli %add3A_275, %mul3A_276 : i32
      %get3A_278 = arith.index_cast %mul3A_277 : i32 to index
      %get3A_279 = tpu.vector_load %arg5[%get3A_278] {strides = array<i32>} : memref<10000xi32, #tpu.memory_space<vmem>>, vector<16xi32>,
      %get3A_280 = arith.index_cast %mul3A_277 : i32 to index
      %get3A_281 = tpu.vector_load %arg6[%get3A_280] {strides = array<i32>} : memref<10000xf32, #tpu.memory_space<vmem>>, vector<16xf32>,
      tpu.vector_store_idx %arg7[%get3A_279], %get3A_281 {add = true} : memref<10000xf32, #tpu.memory_space<vmem>>[vector<16xi32>], vector<16xf32>,
      %mul3A_282 = arith.constant 25 : i32
      %mul3A_283 = arith.muli %scan3A_42, %mul3A_282 : i32
      %add3A_284 = arith.constant 24 : i32
      %add3A_285 = arith.addi %mul3A_283, %add3A_284 : i32
      %mul3A_286 = arith.constant 16 : i32
      %mul3A_287 = arith.muli %add3A_285, %mul3A_286 : i32
      %get3A_288 = arith.index_cast %mul3A_287 : i32 to index
      %get3A_289 = tpu.vector_load %arg5[%get3A_288] {strides = array<i32>} : memref<10000xi32, #tpu.memory_space<vmem>>, vector<16xi32>,
      %get3A_290 = arith.index_cast %mul3A_287 : i32 to index
      %get3A_291 = tpu.vector_load %arg6[%get3A_290] {strides = array<i32>} : memref<10000xf32, #tpu.memory_space<vmem>>, vector<16xf32>,
      tpu.vector_store_idx %arg7[%get3A_289], %get3A_291 {add = true} : memref<10000xf32, #tpu.memory_space<vmem>>[vector<16xi32>], vector<16xf32>,
    }
    %scan3A_17 = arith.constant 25 : i32
    %add3A_18 = arith.constant 0 : i32
    %add3A_19 = arith.addi %add3A_18, %add3A : i32
    %mul3A_20 = arith.constant 2000 : i32
    %mul3A_21 = arith.muli %add3A_19, %mul3A_20 : i32
    %multiple_of3A = tpu.assume_multiple %mul3A_21, 8 : i32
    "tpu.region"() ({
      %run_scoped3A_42 = tpu.sem_alloc : memref<!tpu.dma_semaphore, #tpu.memory_space<semaphore_mem>>
      %dma_start3A = arith.constant 0 : i32
      %dma_start3A_43 = tpu.memref_slice %arg7[%dma_start3A] : memref<10000xf32, #tpu.memory_space<vmem>> -> memref<2000xf32, #tpu.memory_space<vmem>>
      %dma_start3A_44 = tpu.memref_slice %arg4[%multiple_of3A] : memref<320000xf32, #tpu.memory_space<hbm>> -> memref<2000xf32, #tpu.memory_space<hbm>>
      %dma_start3A_45 = tpu.memref_slice %arg4[%multiple_of3A] : memref<320000xf32, #tpu.memory_space<hbm>> -> memref<2000xf32, #tpu.memory_space<hbm>>
      %dma_start3A_46 = arith.constant 0 : i32
      %dma_start3A_47 = tpu.memref_slice %arg7[%dma_start3A_46] : memref<10000xf32, #tpu.memory_space<vmem>> -> memref<2000xf32, #tpu.memory_space<vmem>>
      tpu.enqueue_dma source(%dma_start3A_47 : memref<2000xf32, #tpu.memory_space<vmem>>) target(%dma_start3A_45 : memref<2000xf32, #tpu.memory_space<hbm>>) target_semaphore(%run_scoped3A_42 : memref<!tpu.dma_semaphore, #tpu.memory_space<semaphore_mem>>)
      %dma_wait3A = arith.constant 0 : i32
      %dma_wait3A_48 = tpu.memref_slice %arg7[%dma_wait3A] : memref<10000xf32, #tpu.memory_space<vmem>> -> memref<2000xf32, #tpu.memory_space<vmem>>
      %dma_wait3A_49 = tpu.memref_slice %arg4[%multiple_of3A] : memref<320000xf32, #tpu.memory_space<hbm>> -> memref<2000xf32, #tpu.memory_space<hbm>>
      %dma_wait3A_50 = tpu.memref_slice %arg4[%multiple_of3A] : memref<320000xf32, #tpu.memory_space<hbm>> -> memref<2000xf32, #tpu.memory_space<hbm>>
      %dma_wait3A_51 = arith.constant 0 : i32
      %dma_wait3A_52 = tpu.memref_slice %arg7[%dma_wait3A_51] : memref<10000xf32, #tpu.memory_space<vmem>> -> memref<2000xf32, #tpu.memory_space<vmem>>
      tpu.wait_dma2 semaphore(%run_scoped3A_42 : memref<!tpu.dma_semaphore, #tpu.memory_space<semaphore_mem>>) src(%dma_wait3A_52 : memref<2000xf32, #tpu.memory_space<vmem>>) dst(%dma_wait3A_50 : memref<2000xf32, #tpu.memory_space<hbm>>)
      tpu.yield
    }) : () -> ()
    %add3A_22 = arith.constant 32 : i32
    %add3A_23 = arith.addi %add3A_22, %add3A : i32
    %mul3A_24 = arith.constant 2000 : i32
    %mul3A_25 = arith.muli %add3A_23, %mul3A_24 : i32
    %multiple_of3A_26 = tpu.assume_multiple %mul3A_25, 8 : i32
    "tpu.region"() ({
      %run_scoped3A_42 = tpu.sem_alloc : memref<!tpu.dma_semaphore, #tpu.memory_space<semaphore_mem>>
      %dma_start3A = arith.constant 2000 : i32
      %dma_start3A_43 = tpu.memref_slice %arg7[%dma_start3A] : memref<10000xf32, #tpu.memory_space<vmem>> -> memref<2000xf32, #tpu.memory_space<vmem>>
      %dma_start3A_44 = tpu.memref_slice %arg4[%multiple_of3A_26] : memref<320000xf32, #tpu.memory_space<hbm>> -> memref<2000xf32, #tpu.memory_space<hbm>>
      %dma_start3A_45 = tpu.memref_slice %arg4[%multiple_of3A_26] : memref<320000xf32, #tpu.memory_space<hbm>> -> memref<2000xf32, #tpu.memory_space<hbm>>
      %dma_start3A_46 = arith.constant 2000 : i32
      %dma_start3A_47 = tpu.memref_slice %arg7[%dma_start3A_46] : memref<10000xf32, #tpu.memory_space<vmem>> -> memref<2000xf32, #tpu.memory_space<vmem>>
      tpu.enqueue_dma source(%dma_start3A_47 : memref<2000xf32, #tpu.memory_space<vmem>>) target(%dma_start3A_45 : memref<2000xf32, #tpu.memory_space<hbm>>) target_semaphore(%run_scoped3A_42 : memref<!tpu.dma_semaphore, #tpu.memory_space<semaphore_mem>>)
      %dma_wait3A = arith.constant 2000 : i32
      %dma_wait3A_48 = tpu.memref_slice %arg7[%dma_wait3A] : memref<10000xf32, #tpu.memory_space<vmem>> -> memref<2000xf32, #tpu.memory_space<vmem>>
      %dma_wait3A_49 = tpu.memref_slice %arg4[%multiple_of3A_26] : memref<320000xf32, #tpu.memory_space<hbm>> -> memref<2000xf32, #tpu.memory_space<hbm>>
      %dma_wait3A_50 = tpu.memref_slice %arg4[%multiple_of3A_26] : memref<320000xf32, #tpu.memory_space<hbm>> -> memref<2000xf32, #tpu.memory_space<hbm>>
      %dma_wait3A_51 = arith.constant 2000 : i32
      %dma_wait3A_52 = tpu.memref_slice %arg7[%dma_wait3A_51] : memref<10000xf32, #tpu.memory_space<vmem>> -> memref<2000xf32, #tpu.memory_space<vmem>>
      tpu.wait_dma2 semaphore(%run_scoped3A_42 : memref<!tpu.dma_semaphore, #tpu.memory_space<semaphore_mem>>) src(%dma_wait3A_52 : memref<2000xf32, #tpu.memory_space<vmem>>) dst(%dma_wait3A_50 : memref<2000xf32, #tpu.memory_space<hbm>>)
      tpu.yield
    }) : () -> ()
    %add3A_27 = arith.constant 64 : i32
    %add3A_28 = arith.addi %add3A_27, %add3A : i32
    %mul3A_29 = arith.constant 2000 : i32
    %mul3A_30 = arith.muli %add3A_28, %mul3A_29 : i32
    %multiple_of3A_31 = tpu.assume_multiple %mul3A_30, 8 : i32
    "tpu.region"() ({
      %run_scoped3A_42 = tpu.sem_alloc : memref<!tpu.dma_semaphore, #tpu.memory_space<semaphore_mem>>
      %dma_start3A = arith.constant 4000 : i32
      %dma_start3A_43 = tpu.memref_slice %arg7[%dma_start3A] : memref<10000xf32, #tpu.memory_space<vmem>> -> memref<2000xf32, #tpu.memory_space<vmem>>
      %dma_start3A_44 = tpu.memref_slice %arg4[%multiple_of3A_31] : memref<320000xf32, #tpu.memory_space<hbm>> -> memref<2000xf32, #tpu.memory_space<hbm>>
      %dma_start3A_45 = tpu.memref_slice %arg4[%multiple_of3A_31] : memref<320000xf32, #tpu.memory_space<hbm>> -> memref<2000xf32, #tpu.memory_space<hbm>>
      %dma_start3A_46 = arith.constant 4000 : i32
      %dma_start3A_47 = tpu.memref_slice %arg7[%dma_start3A_46] : memref<10000xf32, #tpu.memory_space<vmem>> -> memref<2000xf32, #tpu.memory_space<vmem>>
      tpu.enqueue_dma source(%dma_start3A_47 : memref<2000xf32, #tpu.memory_space<vmem>>) target(%dma_start3A_45 : memref<2000xf32, #tpu.memory_space<hbm>>) target_semaphore(%run_scoped3A_42 : memref<!tpu.dma_semaphore, #tpu.memory_space<semaphore_mem>>)
      %dma_wait3A = arith.constant 4000 : i32
      %dma_wait3A_48 = tpu.memref_slice %arg7[%dma_wait3A] : memref<10000xf32, #tpu.memory_space<vmem>> -> memref<2000xf32, #tpu.memory_space<vmem>>
      %dma_wait3A_49 = tpu.memref_slice %arg4[%multiple_of3A_31] : memref<320000xf32, #tpu.memory_space<hbm>> -> memref<2000xf32, #tpu.memory_space<hbm>>
      %dma_wait3A_50 = tpu.memref_slice %arg4[%multiple_of3A_31] : memref<320000xf32, #tpu.memory_space<hbm>> -> memref<2000xf32, #tpu.memory_space<hbm>>
      %dma_wait3A_51 = arith.constant 4000 : i32
      %dma_wait3A_52 = tpu.memref_slice %arg7[%dma_wait3A_51] : memref<10000xf32, #tpu.memory_space<vmem>> -> memref<2000xf32, #tpu.memory_space<vmem>>
      tpu.wait_dma2 semaphore(%run_scoped3A_42 : memref<!tpu.dma_semaphore, #tpu.memory_space<semaphore_mem>>) src(%dma_wait3A_52 : memref<2000xf32, #tpu.memory_space<vmem>>) dst(%dma_wait3A_50 : memref<2000xf32, #tpu.memory_space<hbm>>)
      tpu.yield
    }) : () -> ()
    %add3A_32 = arith.constant 96 : i32
    %add3A_33 = arith.addi %add3A_32, %add3A : i32
    %mul3A_34 = arith.constant 2000 : i32
    %mul3A_35 = arith.muli %add3A_33, %mul3A_34 : i32
    %multiple_of3A_36 = tpu.assume_multiple %mul3A_35, 8 : i32
    "tpu.region"() ({
      %run_scoped3A_42 = tpu.sem_alloc : memref<!tpu.dma_semaphore, #tpu.memory_space<semaphore_mem>>
      %dma_start3A = arith.constant 6000 : i32
      %dma_start3A_43 = tpu.memref_slice %arg7[%dma_start3A] : memref<10000xf32, #tpu.memory_space<vmem>> -> memref<2000xf32, #tpu.memory_space<vmem>>
      %dma_start3A_44 = tpu.memref_slice %arg4[%multiple_of3A_36] : memref<320000xf32, #tpu.memory_space<hbm>> -> memref<2000xf32, #tpu.memory_space<hbm>>
      %dma_start3A_45 = tpu.memref_slice %arg4[%multiple_of3A_36] : memref<320000xf32, #tpu.memory_space<hbm>> -> memref<2000xf32, #tpu.memory_space<hbm>>
      %dma_start3A_46 = arith.constant 6000 : i32
      %dma_start3A_47 = tpu.memref_slice %arg7[%dma_start3A_46] : memref<10000xf32, #tpu.memory_space<vmem>> -> memref<2000xf32, #tpu.memory_space<vmem>>
      tpu.enqueue_dma source(%dma_start3A_47 : memref<2000xf32, #tpu.memory_space<vmem>>) target(%dma_start3A_45 : memref<2000xf32, #tpu.memory_space<hbm>>) target_semaphore(%run_scoped3A_42 : memref<!tpu.dma_semaphore, #tpu.memory_space<semaphore_mem>>)
      %dma_wait3A = arith.constant 6000 : i32
      %dma_wait3A_48 = tpu.memref_slice %arg7[%dma_wait3A] : memref<10000xf32, #tpu.memory_space<vmem>> -> memref<2000xf32, #tpu.memory_space<vmem>>
      %dma_wait3A_49 = tpu.memref_slice %arg4[%multiple_of3A_36] : memref<320000xf32, #tpu.memory_space<hbm>> -> memref<2000xf32, #tpu.memory_space<hbm>>
      %dma_wait3A_50 = tpu.memref_slice %arg4[%multiple_of3A_36] : memref<320000xf32, #tpu.memory_space<hbm>> -> memref<2000xf32, #tpu.memory_space<hbm>>
      %dma_wait3A_51 = arith.constant 6000 : i32
      %dma_wait3A_52 = tpu.memref_slice %arg7[%dma_wait3A_51] : memref<10000xf32, #tpu.memory_space<vmem>> -> memref<2000xf32, #tpu.memory_space<vmem>>
      tpu.wait_dma2 semaphore(%run_scoped3A_42 : memref<!tpu.dma_semaphore, #tpu.memory_space<semaphore_mem>>) src(%dma_wait3A_52 : memref<2000xf32, #tpu.memory_space<vmem>>) dst(%dma_wait3A_50 : memref<2000xf32, #tpu.memory_space<hbm>>)
      tpu.yield
    }) : () -> ()
    %add3A_37 = arith.constant 128 : i32
    %add3A_38 = arith.addi %add3A_37, %add3A : i32
    %mul3A_39 = arith.constant 2000 : i32
    %mul3A_40 = arith.muli %add3A_38, %mul3A_39 : i32
    %multiple_of3A_41 = tpu.assume_multiple %mul3A_40, 8 : i32
    "tpu.region"() ({
      %run_scoped3A_42 = tpu.sem_alloc : memref<!tpu.dma_semaphore, #tpu.memory_space<semaphore_mem>>
      %dma_start3A = arith.constant 8000 : i32
      %dma_start3A_43 = tpu.memref_slice %arg7[%dma_start3A] : memref<10000xf32, #tpu.memory_space<vmem>> -> memref<2000xf32, #tpu.memory_space<vmem>>
      %dma_start3A_44 = tpu.memref_slice %arg4[%multiple_of3A_41] : memref<320000xf32, #tpu.memory_space<hbm>> -> memref<2000xf32, #tpu.memory_space<hbm>>
      %dma_start3A_45 = tpu.memref_slice %arg4[%multiple_of3A_41] : memref<320000xf32, #tpu.memory_space<hbm>> -> memref<2000xf32, #tpu.memory_space<hbm>>
      %dma_start3A_46 = arith.constant 8000 : i32
      %dma_start3A_47 = tpu.memref_slice %arg7[%dma_start3A_46] : memref<10000xf32, #tpu.memory_space<vmem>> -> memref<2000xf32, #tpu.memory_space<vmem>>
      tpu.enqueue_dma source(%dma_start3A_47 : memref<2000xf32, #tpu.memory_space<vmem>>) target(%dma_start3A_45 : memref<2000xf32, #tpu.memory_space<hbm>>) target_semaphore(%run_scoped3A_42 : memref<!tpu.dma_semaphore, #tpu.memory_space<semaphore_mem>>)
      %dma_wait3A = arith.constant 8000 : i32
      %dma_wait3A_48 = tpu.memref_slice %arg7[%dma_wait3A] : memref<10000xf32, #tpu.memory_space<vmem>> -> memref<2000xf32, #tpu.memory_space<vmem>>
      %dma_wait3A_49 = tpu.memref_slice %arg4[%multiple_of3A_41] : memref<320000xf32, #tpu.memory_space<hbm>> -> memref<2000xf32, #tpu.memory_space<hbm>>
      %dma_wait3A_50 = tpu.memref_slice %arg4[%multiple_of3A_41] : memref<320000xf32, #tpu.memory_space<hbm>> -> memref<2000xf32, #tpu.memory_space<hbm>>
      %dma_wait3A_51 = arith.constant 8000 : i32
      %dma_wait3A_52 = tpu.memref_slice %arg7[%dma_wait3A_51] : memref<10000xf32, #tpu.memory_space<vmem>> -> memref<2000xf32, #tpu.memory_space<vmem>>
      tpu.wait_dma2 semaphore(%run_scoped3A_42 : memref<!tpu.dma_semaphore, #tpu.memory_space<semaphore_mem>>) src(%dma_wait3A_52 : memref<2000xf32, #tpu.memory_space<vmem>>) dst(%dma_wait3A_50 : memref<2000xf32, #tpu.memory_space<hbm>>)
      tpu.yield
    }) : () -> ()
    return
  }
}

module attributes {stable_mosaic.version = 14 : i64} {
  func.func @body(%arg0: i32, %arg1: memref<2000x128xf32, #tpu.memory_space<vmem>>, %arg2: memref<128x128xf32, #tpu.memory_space<vmem>>, %arg3: memref<1x128xf32, #tpu.memory_space<vmem>>, %arg4: memref<128x128xf32, #tpu.memory_space<vmem>>, %arg5: memref<1x128xf32, #tpu.memory_space<vmem>>, %arg6: memref<2000x128xf32, #tpu.memory_space<vmem>>) attributes {dimension_semantics = [#tpu.dimension_semantics<arbitrary>], iteration_bounds = array<i64: 5>, scalar_prefetch = 0 : i64, scratch_operands = 0 : i64, tpu.core_type = #tpu.core_type<tc>, window_params = [{transform_indices = @transform_0, window_bounds = array<i64: 2000, 128>}, {pipeline_mode = #tpu.pipeline_mode<synchronous>, transform_indices = @transform_1, window_bounds = array<i64: 128, 128>}, {pipeline_mode = #tpu.pipeline_mode<synchronous>, transform_indices = @transform_2, window_bounds = array<i64: 1, 128>}, {pipeline_mode = #tpu.pipeline_mode<synchronous>, transform_indices = @transform_3, window_bounds = array<i64: 128, 128>}, {pipeline_mode = #tpu.pipeline_mode<synchronous>, transform_indices = @transform_4, window_bounds = array<i64: 1, 128>}, {transform_indices = @transform_5, window_bounds = array<i64: 2000, 128>}]} {
    %get3A = arith.constant 0 : index
    %get3A_0 = arith.constant 0 : index
    %get3A_1 = vector.load %arg1[%get3A, %get3A_0] : memref<2000x128xf32, #tpu.memory_space<vmem>>, vector<2000x128xf32>
    %mul3A = arith.constant 2.000000e+00 : f32
    %mul3A_2 = vector.broadcast %mul3A : f32 to vector<2000x128xf32>
    %mul3A_3 = arith.mulf %mul3A_2, %get3A_1 : vector<2000x128xf32>
    %get3A_4 = arith.constant 0 : index
    %get3A_5 = arith.constant 0 : index
    %get3A_6 = vector.load %arg2[%get3A_4, %get3A_5] : memref<128x128xf32, #tpu.memory_space<vmem>>, vector<128x128xf32>
    %dot_general3A = arith.constant dense<0.000000e+00> : vector<2000x128xf32>
    %dot_general3A_7 = tpu.matmul %mul3A_3, %get3A_6, %dot_general3A {dimension_numbers = #tpu.dot_dimension_numbers<[1], [0], [0], [1], [0, 0, 1, 1], [], []>, transpose_lhs_hint = false} : vector<2000x128xf32>, vector<128x128xf32>, vector<2000x128xf32> -> vector<2000x128xf32>
    %get3A_8 = arith.constant 0 : index
    %get3A_9 = arith.constant 0 : index
    %get3A_10 = vector.load %arg3[%get3A_8, %get3A_9] : memref<1x128xf32, #tpu.memory_space<vmem>>, vector<1x128xf32>
    %add3A = vector.broadcast %get3A_10 : vector<1x128xf32> to vector<2000x128xf32>
    %add3A_11 = arith.addf %dot_general3A_7, %add3A : vector<2000x128xf32>
    %max3A = arith.constant 0.000000e+00 : f32
    %max3A_12 = vector.broadcast %max3A : f32 to vector<2000x128xf32>
    %max3A_13 = arith.maximumf %add3A_11, %max3A_12 : vector<2000x128xf32>
    %get3A_14 = arith.constant 0 : index
    %get3A_15 = arith.constant 0 : index
    %get3A_16 = vector.load %arg4[%get3A_14, %get3A_15] : memref<128x128xf32, #tpu.memory_space<vmem>>, vector<128x128xf32>
    %dot_general3A_17 = arith.constant dense<0.000000e+00> : vector<2000x128xf32>
    %dot_general3A_18 = tpu.matmul %max3A_13, %get3A_16, %dot_general3A_17 {dimension_numbers = #tpu.dot_dimension_numbers<[1], [0], [0], [1], [0, 0, 1, 1], [], []>, transpose_lhs_hint = false} : vector<2000x128xf32>, vector<128x128xf32>, vector<2000x128xf32> -> vector<2000x128xf32>
    %get3A_19 = arith.constant 0 : index
    %get3A_20 = arith.constant 0 : index
    %get3A_21 = vector.load %arg5[%get3A_19, %get3A_20] : memref<1x128xf32, #tpu.memory_space<vmem>>, vector<1x128xf32>
    %add3A_22 = vector.broadcast %get3A_21 : vector<1x128xf32> to vector<2000x128xf32>
    %add3A_23 = arith.addf %dot_general3A_18, %add3A_22 : vector<2000x128xf32>
    %max3A_24 = arith.constant 0.000000e+00 : f32
    %max3A_25 = vector.broadcast %max3A_24 : f32 to vector<2000x128xf32>
    %max3A_26 = arith.maximumf %add3A_23, %max3A_25 : vector<2000x128xf32>
    %swap3A = arith.constant 0 : index
    %swap3A_27 = arith.constant 0 : index
    %swap3A_28 = vector.load %arg6[%swap3A, %swap3A_27] : memref<2000x128xf32, #tpu.memory_space<vmem>>, vector<2000x128xf32>
    tpu.vector_store %arg6[%swap3A, %swap3A_27], %max3A_26 {strides = array<i32>} : memref<2000x128xf32, #tpu.memory_space<vmem>>, vector<2000x128xf32>,
    return
  }
  func.func @transform_0(%arg0: i32) -> (i32, i32) {
    %c0_i32 = arith.constant 0 : i32
    %c0_i32_0 = arith.constant 0 : i32
    return %arg0, %c0_i32 : i32, i32
  }
  func.func @transform_1(%arg0: i32) -> (i32, i32) {
    %c0_i32 = arith.constant 0 : i32
    %c0_i32_0 = arith.constant 0 : i32
    %c0_i32_1 = arith.constant 0 : i32
    return %c0_i32, %c0_i32_0 : i32, i32
  }
  func.func @transform_2(%arg0: i32) -> (i32, i32) {
    %c0_i32 = arith.constant 0 : i32
    %c0_i32_0 = arith.constant 0 : i32
    %c0_i32_1 = arith.constant 0 : i32
    return %c0_i32, %c0_i32_0 : i32, i32
  }
  func.func @transform_3(%arg0: i32) -> (i32, i32) {
    %c0_i32 = arith.constant 0 : i32
    %c0_i32_0 = arith.constant 0 : i32
    %c0_i32_1 = arith.constant 0 : i32
    return %c0_i32, %c0_i32_0 : i32, i32
  }
  func.func @transform_4(%arg0: i32) -> (i32, i32) {
    %c0_i32 = arith.constant 0 : i32
    %c0_i32_0 = arith.constant 0 : i32
    %c0_i32_1 = arith.constant 0 : i32
    return %c0_i32, %c0_i32_0 : i32, i32
  }
  func.func @transform_5(%arg0: i32) -> (i32, i32) {
    %c0_i32 = arith.constant 0 : i32
    %c0_i32_0 = arith.constant 0 : i32
    return %arg0, %c0_i32 : i32, i32
  }
}

module attributes {stable_mosaic.version = 14 : i64} {
  func.func @body(%arg0: i32, %arg1: memref<2000x128xf32, #tpu.memory_space<vmem>>, %arg2: memref<1x32x2000xf32, #tpu.memory_space<vmem>>, %arg3: memref<1x128xf32, #tpu.memory_space<vmem>>, %arg4: memref<128x128xf32, #tpu.memory_space<vmem>>, %arg5: memref<1x128xf32, #tpu.memory_space<vmem>>, %arg6: memref<2000x128xf32, #tpu.memory_space<vmem>>) attributes {dimension_semantics = [#tpu.dimension_semantics<arbitrary>], iteration_bounds = array<i64: 5>, scalar_prefetch = 0 : i64, scratch_operands = 0 : i64, tpu.core_type = #tpu.core_type<tc>, window_params = [{transform_indices = @transform_0, window_bounds = array<i64: 2000, 128>}, {transform_indices = @transform_1, window_bounds = array<i64: 1, 32, 2000>}, {pipeline_mode = #tpu.pipeline_mode<synchronous>, transform_indices = @transform_2, window_bounds = array<i64: 1, 128>}, {pipeline_mode = #tpu.pipeline_mode<synchronous>, transform_indices = @transform_3, window_bounds = array<i64: 128, 128>}, {pipeline_mode = #tpu.pipeline_mode<synchronous>, transform_indices = @transform_4, window_bounds = array<i64: 1, 128>}, {transform_indices = @transform_5, window_bounds = array<i64: 2000, 128>}]} {
    %broadcast_in_dim3A = arith.constant 1.000000e+00 : f32
    %broadcast_in_dim3A_0 = vector.broadcast %broadcast_in_dim3A : f32 to vector<32x1xf32>
    %get3A = arith.constant 0 : index
    %get3A_1 = arith.constant 0 : index
    %get3A_2 = arith.constant 0 : index
    %get3A_3 = vector.load %arg2[%get3A, %get3A_1, %get3A_2] : memref<1x32x2000xf32, #tpu.memory_space<vmem>>, vector<1x32x2000xf32>
    %get3A_4 = vector.shape_cast %get3A_3 : vector<1x32x2000xf32> to vector<32x2000xf32>
    %dot_general3A = arith.constant dense<0.000000e+00> : vector<2000x1xf32>
    %dot_general3A_5 = tpu.matmul %get3A_4, %broadcast_in_dim3A_0, %dot_general3A {dimension_numbers = #tpu.dot_dimension_numbers<[0], [0], [1], [1], [0, 1, 1, 1], [], []>, transpose_lhs_hint = false} : vector<32x2000xf32>, vector<32x1xf32>, vector<2000x1xf32> -> vector<2000x1xf32>
    %get3A_6 = arith.constant 0 : index
    %get3A_7 = arith.constant 0 : index
    %get3A_8 = vector.load %arg3[%get3A_6, %get3A_7] : memref<1x128xf32, #tpu.memory_space<vmem>>, vector<1x128xf32>
    %max3A = arith.constant 0.000000e+00 : f32
    %max3A_9 = vector.broadcast %max3A : f32 to vector<1x128xf32>
    %max3A_10 = arith.maximumf %get3A_8, %max3A_9 : vector<1x128xf32>
    %get3A_11 = arith.constant 0 : index
    %get3A_12 = arith.constant 0 : index
    %get3A_13 = vector.load %arg4[%get3A_11, %get3A_12] : memref<128x128xf32, #tpu.memory_space<vmem>>, vector<128x128xf32>
    %dot_general3A_14 = arith.constant dense<0.000000e+00> : vector<1x128xf32>
    %dot_general3A_15 = tpu.matmul %max3A_10, %get3A_13, %dot_general3A_14 {dimension_numbers = #tpu.dot_dimension_numbers<[1], [0], [0], [1], [0, 0, 1, 1], [], []>, transpose_lhs_hint = false} : vector<1x128xf32>, vector<128x128xf32>, vector<1x128xf32> -> vector<1x128xf32>
    %get3A_16 = arith.constant 0 : index
    %get3A_17 = arith.constant 0 : index
    %get3A_18 = vector.load %arg5[%get3A_16, %get3A_17] : memref<1x128xf32, #tpu.memory_space<vmem>>, vector<1x128xf32>
    %add3A = arith.addf %dot_general3A_15, %get3A_18 : vector<1x128xf32>
    %max3A_19 = arith.constant 0.000000e+00 : f32
    %max3A_20 = vector.broadcast %max3A_19 : f32 to vector<1x128xf32>
    %max3A_21 = arith.maximumf %add3A, %max3A_20 : vector<1x128xf32>
    %ne3A = arith.constant 0.000000e+00 : f32
    %ne3A_22 = vector.broadcast %ne3A : f32 to vector<2000x1xf32>
    %ne3A_23 = arith.cmpf one, %dot_general3A_5, %ne3A_22 : vector<2000x1xf32>
    %get3A_24 = arith.constant 0 : index
    %get3A_25 = arith.constant 0 : index
    %get3A_26 = vector.load %arg1[%get3A_24, %get3A_25] : memref<2000x128xf32, #tpu.memory_space<vmem>>, vector<2000x128xf32>
    %broadcast_in_dim3A_27 = vector.shape_cast %ne3A_23 : vector<2000x1xi1> to vector<2000x1xi1>
    %broadcast_in_dim3A_28 = vector.broadcast %broadcast_in_dim3A_27 : vector<2000x1xi1> to vector<2000x128xi1>
    %broadcast_in_dim3A_29 = vector.shape_cast %max3A_21 : vector<1x128xf32> to vector<1x128xf32>
    %broadcast_in_dim3A_30 = vector.broadcast %broadcast_in_dim3A_29 : vector<1x128xf32> to vector<2000x128xf32>
    %select_n3A = arith.select %broadcast_in_dim3A_28, %get3A_26, %broadcast_in_dim3A_30 : vector<2000x128xi1>, vector<2000x128xf32>
    %swap3A = arith.constant 0 : index
    %swap3A_31 = arith.constant 0 : index
    %swap3A_32 = vector.load %arg6[%swap3A, %swap3A_31] : memref<2000x128xf32, #tpu.memory_space<vmem>>, vector<2000x128xf32>
    tpu.vector_store %arg6[%swap3A, %swap3A_31], %select_n3A {strides = array<i32>} : memref<2000x128xf32, #tpu.memory_space<vmem>>, vector<2000x128xf32>,
    return
  }
  func.func @transform_0(%arg0: i32) -> (i32, i32) {
    %c0_i32 = arith.constant 0 : i32
    %c0_i32_0 = arith.constant 0 : i32
    return %arg0, %c0_i32 : i32, i32
  }
  func.func @transform_1(%arg0: i32) -> (i32, i32, i32) {
    %c0_i32 = arith.constant 0 : i32
    %c0_i32_0 = arith.constant 0 : i32
    %c0_i32_1 = arith.constant 0 : i32
    return %arg0, %c0_i32, %c0_i32_0 : i32, i32, i32
  }
  func.func @transform_2(%arg0: i32) -> (i32, i32) {
    %c0_i32 = arith.constant 0 : i32
    %c0_i32_0 = arith.constant 0 : i32
    %c0_i32_1 = arith.constant 0 : i32
    return %c0_i32, %c0_i32_0 : i32, i32
  }
  func.func @transform_3(%arg0: i32) -> (i32, i32) {
    %c0_i32 = arith.constant 0 : i32
    %c0_i32_0 = arith.constant 0 : i32
    %c0_i32_1 = arith.constant 0 : i32
    return %c0_i32, %c0_i32_0 : i32, i32
  }
  func.func @transform_4(%arg0: i32) -> (i32, i32) {
    %c0_i32 = arith.constant 0 : i32
    %c0_i32_0 = arith.constant 0 : i32
    %c0_i32_1 = arith.constant 0 : i32
    return %c0_i32, %c0_i32_0 : i32, i32
  }
  func.func @transform_5(%arg0: i32) -> (i32, i32) {
    %c0_i32 = arith.constant 0 : i32
    %c0_i32_0 = arith.constant 0 : i32
    return %arg0, %c0_i32 : i32, i32
  }
}

</mosaic_0001>

<sc_bundles>
// kernel: kernel.5.cloned.1.call-start
scs
__scs_entry_jumppad:
0x0: {  	(pc) =	sbr.rel $0x88, $3  }
0x1: {  	(tag) =	ssettag $0x0;
	lr =	simm.s32 $0x1  }
0x2: {  	[smem:$0x3F9A] =	sst lr;
	_ =	strace $0xD0000000  }
0x3: {  	_ = 	snop  }
0x4: {  	_ = 	snop  }
0x5: {  	_ = 	snop  }
0x6: {  	_ = 	snop  }
0x7: {  	_ = 	snop  }
__scs_overlays_trampoline_lowered:
0x8: {  	[smem:$0x3FA9] =	sst s0  }
0x9: {  	[smem:$0x3FAA] =	sst s1  }
0xa: {  	[smem:$0x3FAB] =	sst s2  }
0xb: {  	[smem:$0x3FAC] =	sst s3  }
0xc: {  	[smem:$0x3FAD] =	sst s4  }
0xd: {  	[smem:$0x3FAE] =	sst s5  }
0xe: {  	[smem:$0x3FAF] =	sst s6  }
0xf: {  	[smem:$0x3FB0] =	sst s7  }
0x10: {  	[smem:$0x3FB1] =	sst s8  }
0x11: {  	[smem:$0x3FB2] =	sst s9;
	s0 =	simm.s32 @!p0 $0x0  }
0x12: {  	s1 =	sld [smem:$0x3F98];
	s0 =	simm.s32 @p0 $0x1  }
0x13: {  	[smem:$0x3FB3] =	sst s0;
	s0 =	simm.s32 @!p1 $0x0  }
0x14: {  	s2 =	sld [smem:$0x3F97];
	s0 =	simm.s32 @p1 $0x1  }
0x15: {  	[smem:$0x3FB4] =	sst s0;
	s0 =	simm.s32 @!p2 $0x0  }
0x16: {  	s3 =	sld [smem:$0x3FDB];
	s0 =	simm.s32 @p2 $0x1  }
0x17: {  	s4 =	simm.s32 $0x1BF5;
	[smem:$0x3FB6] =	sst s0  }
0x18: {  	s0 =	sld [smem:$0x3F99];
	_ =	swait.ge [sflag:s4], $0x0  }
0x19: {  	s7 =	sld [smem:$0x3F9A]  }
0x1a: {  	s8 =	sadd.s32 $0xFFFFE003, lr  }
0x1b: {  	s9 =	sadd.s32 $0xFFFFFEF7, lr;
	s5 =	simm.s32 $0xFFFFFFFF;
	p2 =	slt.u32 s8, $0xFFFFF086  }
0x1c: {  	p1 =	slt.u32 s9, $0xF7A;
	s5 =	simm.s32 @!p2 $0x0  }
0x1d: {  	s5 =	simm.s32 @p1 $0x1;
	p0 =	seq.s32 s7, s2  }
0x1e: {  	s7 =	smul.u32 @!p0 $0xF7A, s2;
	p2 =	seq.s32 @!p0 s5, $0x0  }
0x1f: {  	s9 =	smul.u32 $0xF7A, s1;
	s8 =	simm.s32 @!p0 $0x1BF5;
	p2 =	por !p2, p0  }
0x20: {  	[sflag:s8] =	ssyncset.s32 @!p0 $0xFFFFF086;
	s6 =	sadd.s32 @!p0 s3, s7;
	s7 =	simm.s32 @!p0 $0x108  }
0x21: {  	s3 =	sadd.s32 s3, s9;
	s6 =	sadd.s32 @!p0 $0x88, s6;
	s7 =	simm.s32 @p2 $0x1082  }
0x22: {  	[simem:s7], [sflag:s8] =	dma.local @!p0 [hbm:s6], $0xF7A  }
0x23: {  	s9 =	sor.u32 $0xD0000000, s2;
	s6 =	simm.s32 $0x108;
	_ =	swait.ge @!p0 [sflag:s8], $0x0  }
0x24: {  	s3 =	sadd.s32 $0x88, s3;
	s6 =	simm.s32 @!p1 $0x1082;
	[sflag:s4] =	ssyncset.s32 $0xFFFFF086  }
0x25: {  	[simem:s6], [sflag:s4] =	dma.local [hbm:s3], $0xF7A  }
0x26: {  	[smem:$0x3F9A] =	sst s1;
	(tag) =	ssettag s2;
	_ =	strace s9  }
0x27: {  	s1 =	sld [smem:$0x3FAA]  }
0x28: {  	s2 =	sld [smem:$0x3FAB]  }
0x29: {  	s4 =	sld [smem:$0x3FAD]  }
0x2a: {  	p0 =	seq.s32 s5, $0x0;
	s5 =	sld [smem:$0x3FAE]  }
0x2b: {  	s6 =	sld [smem:$0x3FAF]  }
0x2c: {  	s7 =	sld [smem:$0x3FB0]  }
0x2d: {  	s3 =	simm.s32 $0x108;
	s8 =	sld [smem:$0x3FB1]  }
0x2e: {  	s3 =	simm.s32 @!p0 $0x1082;
	s9 =	sld [smem:$0x3FB2]  }
0x2f: {  	lr =	sadd.s32 s0, s3;
	s0 =	sld [smem:$0x3FA9]  }
0x30: {  	s3 =	sld [smem:$0x3FAC]  }
0x31: {  	[smem:$0x3FB5] =	sst s10  }
0x32: {  	s10 =	sld [smem:$0x3FB3];
	_ =	sdelay $0x3  }
0x33: {  	p0 =	seq.s32 s10, $0x1;
	s10 =	sld [smem:$0x3FB5];
	_ =	sdelay $0x3  }
0x34: {  	[smem:$0x3FB5] =	sst s10  }
0x35: {  	s10 =	sld [smem:$0x3FB4];
	_ =	sdelay $0x3  }
0x36: {  	p1 =	seq.s32 s10, $0x1;
	s10 =	sld [smem:$0x3FB5];
	_ =	sdelay $0x3  }
0x37: {  	[smem:$0x3FB5] =	sst s10  }
0x38: {  	s10 =	sld [smem:$0x3FB6]  }
0x39: {  	_ = 	snop;
	(pc) =	sbr.ind lr, $3  }
0x3a: {  	_ = 	snop  }
0x3b: {  	_ = 	snop  }
0x3c: {  	p2 =	seq.s32 s10, $0x1;
	s10 =	sld [smem:$0x3FB5]  }
0x3d: {  	_ =	shalt  }
0x3e: {  	_ =	shalt  }
0x3f: {  	_ =	shalt  }
0x40: {  	_ =	shalt  }
0x41: {  	_ =	shalt  }
0x42: {  	_ =	shalt  }
0x43: {  	_ =	shalt  }
0x44: {  	_ =	shalt  }
0x45: {  	_ =	shalt  }
0x46: {  	_ =	shalt  }
0x47: {  	_ =	shalt  }
0x48: {  	_ =	shalt  }
0x49: {  	_ =	shalt  }
0x4a: {  	_ =	shalt  }
0x4b: {  	_ =	shalt  }
0x4c: {  	_ =	shalt  }
0x4d: {  	_ =	shalt  }
0x4e: {  	_ =	shalt  }
0x4f: {  	_ =	shalt  }
0x50: {  	_ =	shalt  }
0x51: {  	_ =	shalt  }
0x52: {  	_ =	shalt  }
0x53: {  	_ =	shalt  }
0x54: {  	_ =	shalt  }
0x55: {  	_ =	shalt  }
0x56: {  	_ =	shalt  }
0x57: {  	_ =	shalt  }
0x58: {  	_ =	shalt  }
0x59: {  	_ =	shalt  }
0x5a: {  	_ =	shalt  }
0x5b: {  	_ =	shalt  }
0x5c: {  	_ =	shalt  }
0x5d: {  	_ =	shalt  }
0x5e: {  	_ =	shalt  }
0x5f: {  	_ =	shalt  }
0x60: {  	_ =	shalt  }
0x61: {  	_ =	shalt  }
0x62: {  	_ =	shalt  }
0x63: {  	_ =	shalt  }
0x64: {  	_ =	shalt  }
0x65: {  	_ =	shalt  }
0x66: {  	_ =	shalt  }
0x67: {  	_ =	shalt  }
0x68: {  	_ =	shalt  }
0x69: {  	_ =	shalt  }
0x6a: {  	_ =	shalt  }
0x6b: {  	_ =	shalt  }
0x6c: {  	_ =	shalt  }
0x6d: {  	_ =	shalt  }
0x6e: {  	_ =	shalt  }
0x6f: {  	_ =	shalt  }
0x70: {  	_ =	shalt  }
0x71: {  	_ =	shalt  }
0x72: {  	_ =	shalt  }
0x73: {  	_ =	shalt  }
0x74: {  	_ =	shalt  }
0x75: {  	_ =	shalt  }
0x76: {  	_ =	shalt  }
0x77: {  	_ =	shalt  }
0x78: {  	_ =	shalt  }
0x79: {  	_ =	shalt  }
0x7a: {  	_ =	shalt  }
0x7b: {  	_ =	shalt  }
0x7c: {  	_ =	shalt  }
0x7d: {  	_ =	shalt  }
0x7e: {  	_ =	shalt  }
0x7f: {  	_ =	shalt  }
0x80: {  	_ =	shalt  }
0x81: {  	_ =	shalt  }
0x82: {  	_ =	shalt  }
0x83: {  	_ =	shalt  }
0x84: {  	_ =	shalt  }
0x85: {  	_ =	shalt  }
0x86: {  	_ =	shalt  }
0x87: {  	_ =	shalt  }
.Lfunc_end0:
.L_simem_size_0:
called_computation_lowered:
.L_overlay_start_0:
0x88: {  	s2 =	sld [smem:$0x3FD9]  }
0x89: {  	s3 =	sld [smem:$0x3FFE];
	_ =	sdelay $0x1  }
0x8a: {  	s1 =	srdreg.scid  }
0x8b: {  	s0 =	sand.u32 $0x1, s1  }
0x8c: {  	s17 =	sshll.u32 s0, $0xA;
	s2 =	sadd.s32 s3, s2  }
0x8d: {  	s2 =	sadd.s32 s2, s17  }
0x8e: {  	[smem:$0x3FC1] =	sst s2  }
0x8f: {  	_ = 	snop  }
0x90: {  	s2 =	sld [smem:$0x3FD0];
	(tm) =	ssettm $0x1  }
0x91: {  	s18 =	sld [smem:$0x3FFB];
	_ =	sdelay $0x3  }
0x92: {  	_ =	strace s18  }
0x93: {  	s3 =	sld [smem:$0x3FFC];
	_ =	sdelay $0x3  }
0x94: {  	_ =	strace s3  }
0x95: {  	s3 =	sld [smem:$0x3FFD];
	_ =	sdelay $0x3  }
0x96: {  	_ =	strace s3  }
0x97: {  	_ =	strace $0x8FFFFFFF  }
0x98: {  	s19 =	sld [smem:$0x3FDB];
	_ =	sdelay $0x1  }
0x99: {  	s4 =	simm.s32 $_scs_section_size  }
0x9a: {  	s5 =	simm.s32 $_size__tile_overlayer_lowered;
	s6 =	simm.s32 $_tile_overlayer_lowered  }
0x9b: {  	s22 =	simm.s32 $0x1BFF;
	s21 =	sshll.u32 s6, $0x1;
	s3 =	sadd.s32 s4, s19  }
0x9c: {  	s7 =	simm.s32 $0x0;
	s20 =	sshll.u32 s5, $0x1;
	s5 =	sadd.s32 s21, s3  }
0x9d: {  	[timem:s7], [sflag:s22] =	dma.local [hbm:s5], s20  }
0x9e: {  	_ =	swait.ge [sflag:s22], s20  }
0x9f: {  	s4 =	ssub.s32 $0x0, s20;
	[sflag:s22] =	ssyncset.done $0x0  }
0xa0: {  	[sflag:s22] =	ssyncadd.s32 s4;
	_ =	sdelay $0x1  }
0xa1: {  	s23 =	simm.s32 $0x1B8B  }
0xa2: {  	_ =	swait.ge [sflag:s23], $0x1  }
0xa3: {  	[sflag:s23] =	ssyncset.done $0x0  }
0xa4: {  	s25 =	simm.s32 $0x1B8E;
	s24 =	sld [smem:$0x3FFE];
	[sflag:s23] =	ssyncadd.s32 $0xFFFFFFFF  }
0xa5: {  	s26 =	simm.s32 $execute0_lowered;
	[smem:$0x3FD2] =	sst s25  }
0xa6: {  	s5 =	sshll.u32 s26, $0x1;
	_ =	strace $0x80000046;
	[dreg:$0x1] =	wrdreg $0xFFFFFFFF  }
0xa7: {  	s28 =	simm.s32 $_size_execute0_lowered;
	s3 =	sadd.s32 s3, s5;
	[dreg:$0x0] =	wrdreg $0x0  }
0xa8: {  	s5 =	sshll.u32 s28, $0x1;
	[dreg:$0x2] =	wrdreg s3  }
0xa9: {  	[dreg:$0x3] =	wrdreg s5  }
0xaa: {  	[dreg:$0x4] =	wrdreg $0xC0  }
0xab: {  	_ =	task [dreg:s7], $0x5FFFF  }
0xac: {  	[dreg:$0x1] =	wrdreg $0xFFFFFFFF  }
0xad: {  	[dreg:$0x0] =	wrdreg $0x60  }
0xae: {  	[dreg:$0x2] =	wrdreg s2  }
0xaf: {  	[dreg:$0x3] =	wrdreg s24  }
0xb0: {  	[dreg:$0x4] =	wrdreg $0x9  }
0xb1: {  	_ =	task.clear_ibuf [dreg:s7], $0x5FFFF;
	_ =	strace $0x90000046  }
0xb2: {  	s29 =	simm.s32 $0x9;
	_ =	strace $0x80000048  }
0xb3: {  	_ =	swait.ge [sflag:s29], $0x1  }
0xb4: {  	[sflag:s29] =	ssyncadd.s32 $0xFFFFFFFF  }
0xb5: {  	_ =	strace $0x90000048  }
0xb6: {  	_ =	sfence  }
0xb7: {  	s30 =	sld [smem:$0x0];
	_ =	sdelay $0x2  }
0xb8: {  	s31 =	sshll.u32 s1, $0xD;
	s1 =	sshrl.u32 s1, $0x2  }
0xb9: {  	s3 =	sand.u32 $0x4000, s31;
	s1 =	sadd.s32 s1, s30  }
0xba: {  	s0 =	sor.u32 s3, s0;
	s1 =	sshll.u32 s1, $0x11  }
0xbb: {  	s0 =	sor.u32 s1, s0  }
0xbc: {  	s0 =	sadd.s32 $0x8F2B, s0  }
0xbd: {  	[sflag:s0] =	ssyncadd.remote.s32 $0x1  }
0xbe: {  	_ =	sfence.sel $0xFFFF  }
0xbf: {  	[dreg:$0x0] =	wrdreg $0xFFFFFFFF;
	(pc) =	sbr.abs _section_cstart, $3  }
0xc0: {  	[dreg:$0x1] =	wrdreg $0xFFFFFFFF  }
0xc1: {  	_ =	task.clear_ibuf [dreg:s7], $0x2FFFF;
	_ =	strace $0x9FFFFFFF  }
0xc2: {  	(tm) =	ssettm $0x7FFFFFFF  }
0xc3: {  	_ =	shalt  }
tec
execute0_lowered:
.L_overlay_start_1:
0x0: {  	(tag) =	ssettag $0x1  }
0x1: {  	s3 =	rddreg [dreg:$0x0]  }
0x2: {  	s1 =	srdreg.scid;
	s0 =	stileid.u32  }
0x3: {  	s4 =	rddreg [dreg:$0x1];
	s2 =	simm.s32 $0x0;
	s13 =	simm.s32 $0x4E20  }
0x4: {  	s14 =	simm.s32 $0x55F0;
	s5 =	sand.u32 $0x1, s1;
	s6 =	sshll.u32 s0, $0x1  }
0x5: {  	s15 =	simm.s32 $0x5DC0;
	s16 =	simm.s32 $0x6590;
	s6 =	sor.u32 s5, s6  }
0x6: {  	s17 =	simm.s32 $0x6D60;
	s18 =	simm.s32 $0x0;
	s7 =	smul.u32 $0x2710, s6  }
0x7: {  	s1 =	rddreg [dreg:$0x2];
	s5 =	ssub.s32 $0x2, s5;
	s8 =	smul.u32 $0x7D0, s6  }
0x8: {  	[smem:$0x7FF] =	sst s2;
	s30 =	sshrl.u32 s5, $0x1;
	s6 =	smul.u32 $0xFA, s6  }
0x9: {  	s10 =	sadd.s32 $0xB200, s4;
	_ =	strace $0x80000047;
	s11 =	ssub.s32 s5, s30  }
0xa: {  	s7 =	sshrl.u32 s7, $0x3;
	s31 =	sshrl.u32 s8, $0x3;
	s5 =	sadd.s32 s10, s6  }
0xb: {  	s9 =	sadd.s32 s7, s4;
	s3 =	sadd.s32 s3, s7;
	s12 =	sadd.s32 s10, s31  }
0xc: {  	s10 =	smax.u32 s11, $0x1;
	s11 =	simm.s32 $0x1;
	s3 =	sadd.s32 $0x9C40, s3  }
0xd: {  	s4 =	sadd.s32 $0x1400, s9;
	s6 =	sadd.s32 $0x1F40, s12;
	s7 =	sadd.s32 $0x3E80, s12  }
0xe: {  	v0 =	vimm.f32 $0.0e+00;
	s8 =	sadd.s32 $0x5DC0, s12;
	s9 =	sadd.s32 $0x7D00, s12;
	s12 =	simm.s32 $0x2710  }
.LBB2_1:
0xf: {  	[tilespmem:s2], [sflag:$0x1] =	stream.linear.gather [hbm4b:s3+s2], $0x2710, $0x38;
	[tilespmem:$0x7530] =	vst v63  }
0x10: {  	_ =	swait.ge [sflag:s11], $0x2710  }
0x11: {  	[sflag:s11] =	ssyncset.done $0x0  }
0x12: {  	[sflag:s11] =	ssyncadd.s32 $0xFFFFD8F0  }
0x13: {  	[tilespmem:s12], [sflag:$0x1] =	stream.linear.gather [hbm4b:s4+s2], $0x2710, $0x38;
	[tilespmem:$0x7530] =	vst v63  }
0x14: {  	_ =	swait.ge [sflag:s11], $0x2710  }
0x15: {  	[sflag:s11] =	ssyncset.done $0x0  }
0x16: {  	s19 =	simm.s32 $0x0;
	s20 =	simm.s32 $0x640;
	[sflag:s11] =	ssyncadd.s32 $0xFFFFD8F0  }
.LBB2_2:
0x17: {  	p0 =	sne.s32 s20, $0x9600;
	[tilespmem:s19+$0x4FA0] =	vst v0  }
0x18: {  	[tilespmem:s19+$0x4E20] =	vst v0  }
0x19: {  	[tilespmem:s19+$0x4E30] =	vst v0  }
0x1a: {  	[tilespmem:s19+$0x4E40] =	vst v0  }
0x1b: {  	[tilespmem:s19+$0x4E50] =	vst v0  }
0x1c: {  	[tilespmem:s19+$0x4E60] =	vst v0  }
0x1d: {  	[tilespmem:s19+$0x4E70] =	vst v0  }
0x1e: {  	[tilespmem:s19+$0x4E80] =	vst v0  }
0x1f: {  	[tilespmem:s19+$0x4E90] =	vst v0  }
0x20: {  	[tilespmem:s19+$0x4EA0] =	vst v0  }
0x21: {  	[tilespmem:s19+$0x4EB0] =	vst v0  }
0x22: {  	[tilespmem:s19+$0x4EC0] =	vst v0  }
0x23: {  	[tilespmem:s19+$0x4ED0] =	vst v0  }
0x24: {  	[tilespmem:s19+$0x4EE0] =	vst v0  }
0x25: {  	[tilespmem:s19+$0x4EF0] =	vst v0  }
0x26: {  	[tilespmem:s19+$0x4F00] =	vst v0  }
0x27: {  	[tilespmem:s19+$0x4F10] =	vst v0  }
0x28: {  	[tilespmem:s19+$0x4F20] =	vst v0  }
0x29: {  	[tilespmem:s19+$0x4F30] =	vst v0  }
0x2a: {  	[tilespmem:s19+$0x4F40] =	vst v0  }
.Ltmp0:
0x2b: {  	[tilespmem:s19+$0x4F50] =	vst v0;
	(pc) =	sbr.rel @p0 .LBB2_2-.Ltmp0, $4  }
0x2c: {  	[tilespmem:s19+$0x4F60] =	vst v0  }
0x2d: {  	[tilespmem:s19+$0x4F70] =	vst v0  }
0x2e: {  	[tilespmem:s19+$0x4F80] =	vst v0  }
0x2f: {  	[tilespmem:s19+$0x4F90] =	vst v0;
	s19 =	sshra.s32 s20, $0x2;
	s20 =	sadd.s32 $0x640, s20  }
0x30: {  	[tilespmem:s19+$0x4FA0] =	vst v0  }
0x31: {  	[tilespmem:s19+$0x4E20] =	vst v0  }
0x32: {  	[tilespmem:s19+$0x4E30] =	vst v0  }
0x33: {  	[tilespmem:s19+$0x4E40] =	vst v0  }
0x34: {  	[tilespmem:s19+$0x4E50] =	vst v0  }
0x35: {  	[tilespmem:s19+$0x4E60] =	vst v0  }
0x36: {  	[tilespmem:s19+$0x4E70] =	vst v0  }
0x37: {  	[tilespmem:s19+$0x4E80] =	vst v0  }
0x38: {  	[tilespmem:s19+$0x4E90] =	vst v0  }
0x39: {  	[tilespmem:s19+$0x4EA0] =	vst v0  }
0x3a: {  	[tilespmem:s19+$0x4EB0] =	vst v0  }
0x3b: {  	[tilespmem:s19+$0x4EC0] =	vst v0  }
0x3c: {  	[tilespmem:s19+$0x4ED0] =	vst v0  }
0x3d: {  	[tilespmem:s19+$0x4EE0] =	vst v0  }
0x3e: {  	[tilespmem:s19+$0x4EF0] =	vst v0  }
0x3f: {  	[tilespmem:s19+$0x4F00] =	vst v0  }
0x40: {  	[tilespmem:s19+$0x4F10] =	vst v0  }
0x41: {  	[tilespmem:s19+$0x4F20] =	vst v0  }
0x42: {  	[tilespmem:s19+$0x4F30] =	vst v0  }
0x43: {  	[tilespmem:s19+$0x4F40] =	vst v0  }
0x44: {  	[tilespmem:s19+$0x4F50] =	vst v0  }
0x45: {  	[tilespmem:s19+$0x4F60] =	vst v0  }
0x46: {  	[tilespmem:s19+$0x4F70] =	vst v0  }
0x47: {  	[tilespmem:s19+$0x4F80] =	vst v0  }
0x48: {  	[tilespmem:s19+$0x4F90] =	vst v0;
	s19 =	simm.s32 $0x0  }
.LBB2_4:
0x49: {  	s20 =	sshra.s32 s19, $0x2  }
0x4a: {  	v1 =	vld [tilespmem:s20+$0x0];
	_ =	sdelay $0x2  }
0x4b: {  	v2 =	vld [tilespmem:s20+$0x2710];
	_ =	sdelay $0x4  }
0x4c: {  	[tilespmem:v1+s13+$0x0] =	vst.idx.add.f32.msk $0xffff, v2  }
0x4d: {  	v1 =	vld [tilespmem:s20+$0x10];
	_ =	sdelay $0x2  }
0x4e: {  	v2 =	vld [tilespmem:s20+$0x2720];
	_ =	sdelay $0x4  }
0x4f: {  	[tilespmem:v1+s13+$0x0] =	vst.idx.add.f32.msk $0xffff, v2  }
0x50: {  	v1 =	vld [tilespmem:s20+$0x20];
	_ =	sdelay $0x2  }
0x51: {  	v2 =	vld [tilespmem:s20+$0x2730];
	_ =	sdelay $0x4  }
0x52: {  	[tilespmem:v1+s13+$0x0] =	vst.idx.add.f32.msk $0xffff, v2  }
0x53: {  	v1 =	vld [tilespmem:s20+$0x30];
	_ =	sdelay $0x2  }
0x54: {  	v2 =	vld [tilespmem:s20+$0x2740];
	_ =	sdelay $0x4  }
0x55: {  	[tilespmem:v1+s13+$0x0] =	vst.idx.add.f32.msk $0xffff, v2  }
0x56: {  	v1 =	vld [tilespmem:s20+$0x40];
	_ =	sdelay $0x2  }
0x57: {  	v2 =	vld [tilespmem:s20+$0x2750];
	_ =	sdelay $0x4  }
0x58: {  	[tilespmem:v1+s13+$0x0] =	vst.idx.add.f32.msk $0xffff, v2  }
0x59: {  	v1 =	vld [tilespmem:s20+$0x50];
	_ =	sdelay $0x2  }
0x5a: {  	v2 =	vld [tilespmem:s20+$0x2760];
	_ =	sdelay $0x4  }
0x5b: {  	[tilespmem:v1+s13+$0x0] =	vst.idx.add.f32.msk $0xffff, v2  }
0x5c: {  	v1 =	vld [tilespmem:s20+$0x60];
	_ =	sdelay $0x2  }
0x5d: {  	v2 =	vld [tilespmem:s20+$0x2770];
	_ =	sdelay $0x4  }
0x5e: {  	[tilespmem:v1+s13+$0x0] =	vst.idx.add.f32.msk $0xffff, v2  }
0x5f: {  	v1 =	vld [tilespmem:s20+$0x70];
	_ =	sdelay $0x2  }
0x60: {  	v2 =	vld [tilespmem:s20+$0x2780];
	_ =	sdelay $0x4  }
0x61: {  	[tilespmem:v1+s13+$0x0] =	vst.idx.add.f32.msk $0xffff, v2  }
0x62: {  	v1 =	vld [tilespmem:s20+$0x80];
	_ =	sdelay $0x2  }
0x63: {  	v2 =	vld [tilespmem:s20+$0x2790];
	_ =	sdelay $0x4  }
0x64: {  	[tilespmem:v1+s13+$0x0] =	vst.idx.add.f32.msk $0xffff, v2  }
0x65: {  	v1 =	vld [tilespmem:s20+$0x90];
	_ =	sdelay $0x2  }
0x66: {  	v2 =	vld [tilespmem:s20+$0x27A0];
	_ =	sdelay $0x4  }
0x67: {  	[tilespmem:v1+s13+$0x0] =	vst.idx.add.f32.msk $0xffff, v2  }
0x68: {  	v1 =	vld [tilespmem:s20+$0xA0];
	_ =	sdelay $0x2  }
0x69: {  	v2 =	vld [tilespmem:s20+$0x27B0];
	_ =	sdelay $0x4  }
0x6a: {  	[tilespmem:v1+s13+$0x0] =	vst.idx.add.f32.msk $0xffff, v2  }
0x6b: {  	v1 =	vld [tilespmem:s20+$0xB0];
	_ =	sdelay $0x2  }
0x6c: {  	v2 =	vld [tilespmem:s20+$0x27C0];
	_ =	sdelay $0x4  }
0x6d: {  	[tilespmem:v1+s13+$0x0] =	vst.idx.add.f32.msk $0xffff, v2  }
0x6e: {  	v1 =	vld [tilespmem:s20+$0xC0];
	_ =	sdelay $0x2  }
0x6f: {  	v2 =	vld [tilespmem:s20+$0x27D0];
	_ =	sdelay $0x4  }
0x70: {  	[tilespmem:v1+s13+$0x0] =	vst.idx.add.f32.msk $0xffff, v2  }
0x71: {  	v1 =	vld [tilespmem:s20+$0xD0];
	_ =	sdelay $0x2  }
0x72: {  	v2 =	vld [tilespmem:s20+$0x27E0];
	_ =	sdelay $0x4  }
0x73: {  	[tilespmem:v1+s13+$0x0] =	vst.idx.add.f32.msk $0xffff, v2  }
0x74: {  	v1 =	vld [tilespmem:s20+$0xE0];
	_ =	sdelay $0x2  }
0x75: {  	v2 =	vld [tilespmem:s20+$0x27F0];
	_ =	sdelay $0x4  }
0x76: {  	[tilespmem:v1+s13+$0x0] =	vst.idx.add.f32.msk $0xffff, v2  }
0x77: {  	v1 =	vld [tilespmem:s20+$0xF0];
	_ =	sdelay $0x2  }
0x78: {  	v2 =	vld [tilespmem:s20+$0x2800];
	_ =	sdelay $0x4  }
0x79: {  	[tilespmem:v1+s13+$0x0] =	vst.idx.add.f32.msk $0xffff, v2  }
0x7a: {  	v1 =	vld [tilespmem:s20+$0x100];
	_ =	sdelay $0x2  }
0x7b: {  	v2 =	vld [tilespmem:s20+$0x2810];
	_ =	sdelay $0x4  }
0x7c: {  	[tilespmem:v1+s13+$0x0] =	vst.idx.add.f32.msk $0xffff, v2  }
0x7d: {  	v1 =	vld [tilespmem:s20+$0x110];
	_ =	sdelay $0x2  }
0x7e: {  	v2 =	vld [tilespmem:s20+$0x2820];
	_ =	sdelay $0x4  }
0x7f: {  	[tilespmem:v1+s13+$0x0] =	vst.idx.add.f32.msk $0xffff, v2  }
0x80: {  	v1 =	vld [tilespmem:s20+$0x120];
	_ =	sdelay $0x2  }
0x81: {  	v2 =	vld [tilespmem:s20+$0x2830];
	_ =	sdelay $0x4  }
0x82: {  	[tilespmem:v1+s13+$0x0] =	vst.idx.add.f32.msk $0xffff, v2  }
0x83: {  	v1 =	vld [tilespmem:s20+$0x130];
	_ =	sdelay $0x2  }
0x84: {  	v2 =	vld [tilespmem:s20+$0x2840];
	_ =	sdelay $0x4  }
0x85: {  	[tilespmem:v1+s13+$0x0] =	vst.idx.add.f32.msk $0xffff, v2  }
0x86: {  	v1 =	vld [tilespmem:s20+$0x140];
	_ =	sdelay $0x2  }
0x87: {  	v2 =	vld [tilespmem:s20+$0x2850];
	_ =	sdelay $0x4  }
0x88: {  	[tilespmem:v1+s13+$0x0] =	vst.idx.add.f32.msk $0xffff, v2  }
0x89: {  	v1 =	vld [tilespmem:s20+$0x150];
	_ =	sdelay $0x2  }
0x8a: {  	v2 =	vld [tilespmem:s20+$0x2860];
	_ =	sdelay $0x4  }
0x8b: {  	[tilespmem:v1+s13+$0x0] =	vst.idx.add.f32.msk $0xffff, v2  }
0x8c: {  	v1 =	vld [tilespmem:s20+$0x160];
	_ =	sdelay $0x2  }
0x8d: {  	v2 =	vld [tilespmem:s20+$0x2870];
	_ =	sdelay $0x4  }
0x8e: {  	[tilespmem:v1+s13+$0x0] =	vst.idx.add.f32.msk $0xffff, v2  }
0x8f: {  	v1 =	vld [tilespmem:s20+$0x170];
	_ =	sdelay $0x2  }
0x90: {  	v2 =	vld [tilespmem:s20+$0x2880];
	_ =	sdelay $0x4  }
0x91: {  	[tilespmem:v1+s13+$0x0] =	vst.idx.add.f32.msk $0xffff, v2  }
0x92: {  	v1 =	vld [tilespmem:s20+$0x180];
	_ =	sdelay $0x2  }
0x93: {  	p0 =	sne.s32 s19, $0x9600;
	v2 =	vld [tilespmem:s20+$0x2890]  }
.Ltmp1:
0x94: {  	_ = 	snop;
	(pc) =	sbr.rel @p0 .LBB2_4-.Ltmp1, $2  }
0x95: {  	_ =	sdelay $0x2  }
0x96: {  	s19 =	sadd.s32 $0x640, s19;
	[tilespmem:v1+s13+$0x0] =	vst.idx.add.f32.msk $0xffff, v2  }
0x97: {  	[hbm4b:s5+s2] =	stream.linear.scatter [tilespmem:s13], [sflag:$0x1], $0x7D0, $0x38;
	[tilespmem:$0x7530] =	vst v63  }
0x98: {  	_ =	swait.ge [sflag:s11], $0x7D0  }
0x99: {  	[sflag:s11] =	ssyncset.done $0x0  }
0x9a: {  	[sflag:s11] =	ssyncadd.s32 $0xFFFFF830  }
0x9b: {  	[hbm4b:s6+s2] =	stream.linear.scatter [tilespmem:s14], [sflag:$0x1], $0x7D0, $0x38;
	[tilespmem:$0x7530] =	vst v63  }
0x9c: {  	_ =	swait.ge [sflag:s11], $0x7D0  }
0x9d: {  	[sflag:s11] =	ssyncset.done $0x0  }
0x9e: {  	[sflag:s11] =	ssyncadd.s32 $0xFFFFF830  }
0x9f: {  	[hbm4b:s7+s2] =	stream.linear.scatter [tilespmem:s15], [sflag:$0x1], $0x7D0, $0x38;
	[tilespmem:$0x7530] =	vst v63  }
0xa0: {  	_ =	swait.ge [sflag:s11], $0x7D0  }
0xa1: {  	[sflag:s11] =	ssyncset.done $0x0  }
0xa2: {  	[sflag:s11] =	ssyncadd.s32 $0xFFFFF830  }
0xa3: {  	[hbm4b:s8+s2] =	stream.linear.scatter [tilespmem:s16], [sflag:$0x1], $0x7D0, $0x38;
	[tilespmem:$0x7530] =	vst v63  }
0xa4: {  	s18 =	sadd.s32 $0x1, s18;
	_ =	swait.ge [sflag:s11], $0x7D0  }
0xa5: {  	p0 =	sne.s32 s18, s10;
	[sflag:s11] =	ssyncset.done $0x0  }
.Ltmp2:
0xa6: {  	[sflag:s11] =	ssyncadd.s32 $0xFFFFF830;
	(pc) =	sbr.rel @p0 .LBB2_1-.Ltmp2, $4  }
0xa7: {  	[hbm4b:s9+s2] =	stream.linear.scatter [tilespmem:s17], [sflag:$0x1], $0x7D0, $0x38;
	[tilespmem:$0x7530] =	vst v63  }
0xa8: {  	_ =	swait.ge [sflag:s11], $0x7D0  }
0xa9: {  	[sflag:s11] =	ssyncset.done $0x0  }
0xaa: {  	[sflag:s11] =	ssyncadd.s32 $0xFFFFF830  }
0xab: {  	_ =	sfence.sel $0x180000  }
0xac: {  	[bflag:$0x0] =	sbarrier.arrive $0xFFFF  }
0xad: {  	p0 =	sne.s32 s0, $0x0;
	_ =	strace $0x90000047  }
0xae: {  	s0 =	sadd.s32 @!p0 $0x100000, s1;
	[bflag:$0x2] =	sbarrier.arrive $0xFFFF  }
0xaf: {  	[sflag:s0] =	ssyncadd.tile.s32 @!p0 $0x1;
	_ =	shalt  }
.Lfunc_end2:
_tile_overlayer_lowered:
.L_overlay_start_2:
0xb0: {  	(tag) =	ssettag $0x2  }
0xb1: {  	s0 =	rddreg [dreg:$0x0];
	s2 =	stileid.u32  }
0xb2: {  	s1 =	rddreg [dreg:$0x1];
	p0 =	sne.s32 s2, $0x0  }
0xb3: {  	s3 =	rddreg [dreg:$0x2];
	[bflag:$0x3] =	sbarrier.arrive $0xFFFF;
	s2 =	simm.s32 @!p0 $0x1C01  }
0xb4: {  	[timem:s3], [sflag:s2] =	dma.local @!p0 [hbm:s0], s1  }
0xb5: {  	s0 =	simm.s32 @!p0 $0x1  }
0xb6: {  	_ =	swait.ge @!p0 [sflag:s0], s1  }
0xb7: {  	s1 =	ssub.s32 @!p0 $0x0, s1;
	[sflag:s0] =	ssyncset.done @!p0 $0x0  }
0xb8: {  	[sflag:s0] =	ssyncadd.s32 @!p0 s1  }
0xb9: {  	[bflag:$0x3] =	sbarrier.arrive $0xFFFF  }
0xba: {  	_ =	shalt  }

</sc_bundles>
